<compile_context>
chip_gen: v7x
topology: tpu7x:2x2x1
jax: 0.10.2.dev20260603
libtpu: 0.0.44.dev20260713+nightly
codegen_flags: <defaults>
</compile_context>

<pallas_src>
import functools

import jax
import jax.numpy as jnp
from jax import lax
from jax.experimental import pallas as pl
from jax.experimental.pallas import tpu as pltpu
from jax.experimental.pallas import tpu_sc as plsc

EMB = 128
MAX_DEPTH = 20
NTYPE = 98
NATTR = 10030
N = 100000
U = 80
K = N // U
NC = 2
NS = 16
NW = NC * NS
LANES = 16
UPW = K // NW
MAXU = UPW + 1
C = 128
NFULL = UPW * U // C
TAIL = UPW * U - NFULL * C


def _td_fuse_body(t_ref, d_ref, o_ref):
    o_ref[...] = t_ref[...][:, None, :] + d_ref[...][None, :, :]


def _encoder(td_hbm, atab_hbm, x0_hbm, x1_hbm, dep_hbm, out_hbm,
             x0_v, x1_v, dep_v, comb_v,
             td0, td1, a0, a1, s0, s1,
             isem, g0, g1, o0, o1):
    cc = lax.axis_index("c")
    ss = lax.axis_index("s")
    w = ss * NC + cc
    start = UPW * w + jnp.minimum(w, K % NW)
    rb = pl.multiple_of(start * U, 8)
    extra = w < K % NW
    nfull = NFULL + jnp.where(extra, 1, 0)

    pltpu.async_copy(x0_hbm.at[pl.ds(rb, UPW * U)], x0_v.at[pl.ds(0, UPW * U)], isem)
    pltpu.async_copy(x1_hbm.at[pl.ds(rb, UPW * U)], x1_v.at[pl.ds(0, UPW * U)], isem)
    pltpu.async_copy(dep_hbm.at[pl.ds(rb, UPW * U)], dep_v.at[pl.ds(0, UPW * U)], isem)
    pltpu.make_async_copy(x0_hbm.at[pl.ds(0, UPW * U)], x0_v.at[pl.ds(0, UPW * U)], isem).wait()
    pltpu.make_async_copy(x1_hbm.at[pl.ds(0, UPW * U)], x1_v.at[pl.ds(0, UPW * U)], isem).wait()
    pltpu.make_async_copy(dep_hbm.at[pl.ds(0, UPW * U)], dep_v.at[pl.ds(0, UPW * U)], isem).wait()

    @pl.when(extra)
    def _():
        ebase = pl.multiple_of((start + UPW) * U, 8)
        pltpu.sync_copy(x0_hbm.at[pl.ds(ebase, U)], x0_v.at[pl.ds(UPW * U, U)])
        pltpu.sync_copy(x1_hbm.at[pl.ds(ebase, U)], x1_v.at[pl.ds(UPW * U, U)])
        pltpu.sync_copy(dep_hbm.at[pl.ds(ebase, U)], dep_v.at[pl.ds(UPW * U, U)])

    @plsc.parallel_loop(0, MAXU * U // LANES, unroll=4)
    def _(i):
        sl = pl.ds(i * LANES, LANES)
        t = jnp.clip(x0_v[sl], 0, NTYPE - 1)
        d = jnp.clip(dep_v[sl], 0, MAX_DEPTH)
        comb_v[sl] = t * (MAX_DEPTH + 1) + d
        x1_v[sl] = jnp.clip(x1_v[sl], 0, NATTR - 1)

    slots = ((td0, a0, s0, g0, o0), (td1, a1, s1, g1, o1))

    def fire(jj, tdb, ab, gsem):
        pltpu.async_copy(td_hbm.at[comb_v.at[pl.ds(jj * C, C)]], tdb, gsem)
        pltpu.async_copy(atab_hbm.at[x1_v.at[pl.ds(jj * C, C)]], ab, gsem)

    fire(0, td0, a0, g0)
    fire(1, td1, a1, g1)

    def pair(jp, carry):
        for b in range(2):
            tdb, ab, sb, gsem, osem = slots[b]
            jj = 2 * jp + b

            @pl.when(jj < nfull)
            def _():
                pltpu.make_async_copy(td_hbm.at[comb_v.at[pl.ds(jj * C, C)]], tdb, gsem).wait()
                pltpu.make_async_copy(atab_hbm.at[x1_v.at[pl.ds(jj * C, C)]], ab, gsem).wait()

                @pl.when(jp > 0)
                def _():
                    pltpu.make_async_copy(sb, out_hbm.at[pl.ds(0, C * EMB)], osem).wait()

                @plsc.parallel_loop(0, C, unroll=4)
                def _(r):
                    for k in range(EMB // LANES):
                        sl = pl.ds(k * LANES, LANES)
                        sb[pl.ds(r * EMB + k * LANES, LANES)] = tdb[r, sl] + ab[r, sl]

                obase = pl.multiple_of(rb * EMB + jj * (C * EMB), 8)
                pltpu.async_copy(sb, out_hbm.at[pl.ds(obase, C * EMB)], osem)

                @pl.when(jj + 2 < nfull)
                def _():
                    fire(jj + 2, tdb, ab, gsem)

        return carry

    lax.fori_loop(0, (NFULL + 2) // 2, pair, 0)
    pltpu.make_async_copy(s0, out_hbm.at[pl.ds(0, C * EMB)], o0).wait()
    pltpu.make_async_copy(s1, out_hbm.at[pl.ds(0, C * EMB)], o1).wait()

    @pl.when(jnp.logical_not(extra))
    def _():
        tb = NFULL * C
        pltpu.async_copy(td_hbm.at[comb_v.at[pl.ds(tb, TAIL)]], td0.at[pl.ds(0, TAIL)], g0)
        pltpu.async_copy(atab_hbm.at[x1_v.at[pl.ds(tb, TAIL)]], a0.at[pl.ds(0, TAIL)], g0)
        pltpu.make_async_copy(td_hbm.at[comb_v.at[pl.ds(tb, TAIL)]], td0.at[pl.ds(0, TAIL)], g0).wait()
        pltpu.make_async_copy(atab_hbm.at[x1_v.at[pl.ds(tb, TAIL)]], a0.at[pl.ds(0, TAIL)], g0).wait()

        @plsc.parallel_loop(0, TAIL, unroll=4)
        def _(r):
            for k in range(EMB // LANES):
                sl = pl.ds(k * LANES, LANES)
                s0[pl.ds(r * EMB + k * LANES, LANES)] = td0[r, sl] + a0[r, sl]

        obase = pl.multiple_of(rb * EMB + tb * EMB, 8)
        pltpu.sync_copy(s0.at[pl.ds(0, TAIL * EMB)], out_hbm.at[pl.ds(obase, TAIL * EMB)])


@jax.jit
def _run(x0, x1, depth, type_table, attr_table, depth_table):
    td3 = pl.pallas_call(
        _td_fuse_body,
        out_shape=jax.ShapeDtypeStruct((NTYPE, MAX_DEPTH + 1, EMB), jnp.float32),
    )(type_table, depth_table)
    td = td3.reshape(NTYPE * (MAX_DEPTH + 1), EMB)

    enc = functools.partial(
        pl.kernel,
        mesh=plsc.VectorSubcoreMesh(core_axis_name="c", subcore_axis_name="s"),
        out_type=jax.ShapeDtypeStruct((N * EMB,), jnp.float32),
        compiler_params=pltpu.CompilerParams(needs_layout_passes=False),
        scratch_types=[
            pltpu.VMEM((MAXU * U,), jnp.int32),
            pltpu.VMEM((MAXU * U,), jnp.int32),
            pltpu.VMEM((MAXU * U,), jnp.int32),
            pltpu.VMEM((MAXU * U,), jnp.int32),
            pltpu.VMEM((C, EMB), jnp.float32),
            pltpu.VMEM((C, EMB), jnp.float32),
            pltpu.VMEM((C, EMB), jnp.float32),
            pltpu.VMEM((C, EMB), jnp.float32),
            pltpu.VMEM((C * EMB,), jnp.float32),
            pltpu.VMEM((C * EMB,), jnp.float32),
            pltpu.SemaphoreType.DMA,
            pltpu.SemaphoreType.DMA,
            pltpu.SemaphoreType.DMA,
            pltpu.SemaphoreType.DMA,
            pltpu.SemaphoreType.DMA,
        ],
    )(_encoder)
    flat = enc(td, attr_table, x0, x1, depth)
    return flat.reshape(N, EMB)


def kernel(x, depth, type_table, attr_table, depth_table):
    return _run(x[:, 0], x[:, 1], depth, type_table, attr_table, depth_table)

# --- scband reference (transcript-rebuilt; emitter-appended) ---
"""Pipeline reference for scband-astnode-encoder-64201171140701 (READ-ONLY COPY).

The authoritative reference and input builder live on the scoring server;
editing this copy changes nothing except your own understanding.
"""

import jax, jax.numpy as jnp
import numpy as np

EMB_DIM = 128
NUM_NODE_TYPES = 98
NUM_NODE_ATTR = 10030
MAX_DEPTH = 20
N = 100000

def setup_inputs(seed: int = 0) -> dict:
    key = jax.random.key(seed)
    k1, k2, k3, k4, k5 = jax.random.split(key, 5)
    x = jax.random.randint(k1, (N, 2), 0, NUM_NODE_TYPES, dtype=jnp.int64 if jax.config.jax_enable_x64 else jnp.int32).astype(jnp.int32)
    depth = jax.random.randint(k2, (N,), 0, 30, dtype=jnp.int32)
    type_table = jax.random.normal(k3, (NUM_NODE_TYPES, EMB_DIM), dtype=jnp.float32)
    attr_table = jax.random.normal(k4, (NUM_NODE_ATTR, EMB_DIM), dtype=jnp.float32)
    depth_table = jax.random.normal(k5, (MAX_DEPTH + 1, EMB_DIM), dtype=jnp.float32)
    return {"x": x, "depth": depth, "type_table": type_table, "attr_table": attr_table, "depth_table": depth_table}

def reference(x, depth, type_table, attr_table, depth_table):
    # depth[depth > max_depth] = max_depth  (functional clamp in JAX)
    depth_clamped = jnp.minimum(depth, MAX_DEPTH)
    type_emb = jnp.take(type_table, x[:, 0], axis=0)
    attr_emb = jnp.take(attr_table, x[:, 1], axis=0)
    depth_emb = jnp.take(depth_table, depth_clamped, axis=0)
    return type_emb + attr_emb + depth_emb

if __name__ == "__main__":
    import jax
    _d = setup_inputs()
    print(jax.jit(kernel)(*tuple(_d.values())))

</pallas_src>

<mosaic_0001>
#map = affine_map<(d0, d1) -> (0, 0)>
#map1 = affine_map<(d0, d1) -> (0)>
module attributes {stable_mosaic.version = 14 : i64} {
  func.func @_encoder(%arg0: i32, %arg1: i32, %arg2: memref<2058x128xf32, #tpu.memory_space<hbm>>, %arg3: memref<10030x128xf32, #tpu.memory_space<hbm>>, %arg4: memref<100000xi32, #tpu.memory_space<hbm>>, %arg5: memref<100000xi32, #tpu.memory_space<hbm>>, %arg6: memref<100000xi32, #tpu.memory_space<hbm>>, %arg7: memref<12800000xf32, #tpu.memory_space<hbm>>, %arg8: memref<3200xi32, #tpu.memory_space<vmem>>, %arg9: memref<3200xi32, #tpu.memory_space<vmem>>, %arg10: memref<3200xi32, #tpu.memory_space<vmem>>, %arg11: memref<3200xi32, #tpu.memory_space<vmem>>, %arg12: memref<128x128xf32, #tpu.memory_space<vmem>>, %arg13: memref<128x128xf32, #tpu.memory_space<vmem>>, %arg14: memref<128x128xf32, #tpu.memory_space<vmem>>, %arg15: memref<128x128xf32, #tpu.memory_space<vmem>>, %arg16: memref<16384xf32, #tpu.memory_space<vmem>>, %arg17: memref<16384xf32, #tpu.memory_space<vmem>>, %arg18: memref<!tpu.dma_semaphore, #tpu.memory_space<semaphore_mem>>, %arg19: memref<!tpu.dma_semaphore, #tpu.memory_space<semaphore_mem>>, %arg20: memref<!tpu.dma_semaphore, #tpu.memory_space<semaphore_mem>>, %arg21: memref<!tpu.dma_semaphore, #tpu.memory_space<semaphore_mem>>, %arg22: memref<!tpu.dma_semaphore, #tpu.memory_space<semaphore_mem>>) attributes {dimension_semantics = [#tpu.dimension_semantics<core_parallel>, #tpu.dimension_semantics<subcore_parallel>], iteration_bounds = array<i64: 2, 16>, scalar_prefetch = 0 : i64, scratch_operands = 15 : i64, tpu.core_type = #tpu.core_type<sc_vector_subcore>, window_params = [{transform_indices = #map}, {transform_indices = #map}, {transform_indices = #map1}, {transform_indices = #map1}, {transform_indices = #map1}, {transform_indices = #map1}]} {
    %mul3A = arith.constant 2 : i32
    %mul3A_0 = arith.muli %arg1, %mul3A : i32
    %add3A = arith.addi %mul3A_0, %arg0 : i32
    %mul3A_1 = arith.constant 39 : i32
    %mul3A_2 = arith.muli %mul3A_1, %add3A : i32
    %min3A = arith.constant 2 : i32
    %min3A_3 = arith.minsi %add3A, %min3A : i32
    %add3A_4 = arith.addi %mul3A_2, %min3A_3 : i32
    %mul3A_5 = arith.constant 80 : i32
    %mul3A_6 = arith.muli %add3A_4, %mul3A_5 : i32
    %multiple_of3A = tpu.assume_multiple %mul3A_6, 8 : i32
    %lt3A = arith.constant 2 : i32
    %lt3A_7 = arith.cmpi slt, %add3A, %lt3A : i32
    %jit3A = arith.constant 1 : i32
    %jit3A_8 = arith.constant 0 : i32
    %select_n3A = arith.select %lt3A_7, %jit3A, %jit3A_8 : i32
    %add3A_9 = arith.constant 24 : i32
    %add3A_10 = arith.addi %add3A_9, %select_n3A : i32
    %dma_start3A = arith.constant 0 : i32
    %dma_start3A_11 = tpu.memref_slice %arg8[%dma_start3A] : memref<3200xi32, #tpu.memory_space<vmem>> -> memref<3120xi32, #tpu.memory_space<vmem>>
    %dma_start3A_12 = tpu.memref_slice %arg4[%multiple_of3A] : memref<100000xi32, #tpu.memory_space<hbm>> -> memref<3120xi32, #tpu.memory_space<hbm>>
    %dma_start3A_13 = arith.constant 0 : i32
    %dma_start3A_14 = tpu.memref_slice %arg8[%dma_start3A_13] : memref<3200xi32, #tpu.memory_space<vmem>> -> memref<3120xi32, #tpu.memory_space<vmem>>
    %dma_start3A_15 = tpu.memref_slice %arg4[%multiple_of3A] : memref<100000xi32, #tpu.memory_space<hbm>> -> memref<3120xi32, #tpu.memory_space<hbm>>
    tpu.enqueue_dma source(%dma_start3A_15 : memref<3120xi32, #tpu.memory_space<hbm>>) target(%dma_start3A_14 : memref<3120xi32, #tpu.memory_space<vmem>>) target_semaphore(%arg18 : memref<!tpu.dma_semaphore, #tpu.memory_space<semaphore_mem>>)
    %dma_start3A_16 = arith.constant 0 : i32
    %dma_start3A_17 = tpu.memref_slice %arg9[%dma_start3A_16] : memref<3200xi32, #tpu.memory_space<vmem>> -> memref<3120xi32, #tpu.memory_space<vmem>>
    %dma_start3A_18 = tpu.memref_slice %arg5[%multiple_of3A] : memref<100000xi32, #tpu.memory_space<hbm>> -> memref<3120xi32, #tpu.memory_space<hbm>>
    %dma_start3A_19 = arith.constant 0 : i32
    %dma_start3A_20 = tpu.memref_slice %arg9[%dma_start3A_19] : memref<3200xi32, #tpu.memory_space<vmem>> -> memref<3120xi32, #tpu.memory_space<vmem>>
    %dma_start3A_21 = tpu.memref_slice %arg5[%multiple_of3A] : memref<100000xi32, #tpu.memory_space<hbm>> -> memref<3120xi32, #tpu.memory_space<hbm>>
    tpu.enqueue_dma source(%dma_start3A_21 : memref<3120xi32, #tpu.memory_space<hbm>>) target(%dma_start3A_20 : memref<3120xi32, #tpu.memory_space<vmem>>) target_semaphore(%arg18 : memref<!tpu.dma_semaphore, #tpu.memory_space<semaphore_mem>>)
    %dma_start3A_22 = arith.constant 0 : i32
    %dma_start3A_23 = tpu.memref_slice %arg10[%dma_start3A_22] : memref<3200xi32, #tpu.memory_space<vmem>> -> memref<3120xi32, #tpu.memory_space<vmem>>
    %dma_start3A_24 = tpu.memref_slice %arg6[%multiple_of3A] : memref<100000xi32, #tpu.memory_space<hbm>> -> memref<3120xi32, #tpu.memory_space<hbm>>
    %dma_start3A_25 = arith.constant 0 : i32
    %dma_start3A_26 = tpu.memref_slice %arg10[%dma_start3A_25] : memref<3200xi32, #tpu.memory_space<vmem>> -> memref<3120xi32, #tpu.memory_space<vmem>>
    %dma_start3A_27 = tpu.memref_slice %arg6[%multiple_of3A] : memref<100000xi32, #tpu.memory_space<hbm>> -> memref<3120xi32, #tpu.memory_space<hbm>>
    tpu.enqueue_dma source(%dma_start3A_27 : memref<3120xi32, #tpu.memory_space<hbm>>) target(%dma_start3A_26 : memref<3120xi32, #tpu.memory_space<vmem>>) target_semaphore(%arg18 : memref<!tpu.dma_semaphore, #tpu.memory_space<semaphore_mem>>)
    %dma_wait3A = arith.constant 0 : i32
    %dma_wait3A_28 = tpu.memref_slice %arg8[%dma_wait3A] : memref<3200xi32, #tpu.memory_space<vmem>> -> memref<3120xi32, #tpu.memory_space<vmem>>
    %dma_wait3A_29 = arith.constant 0 : i32
    %dma_wait3A_30 = tpu.memref_slice %arg4[%dma_wait3A_29] : memref<100000xi32, #tpu.memory_space<hbm>> -> memref<3120xi32, #tpu.memory_space<hbm>>
    %dma_wait3A_31 = arith.constant 0 : i32
    %dma_wait3A_32 = tpu.memref_slice %arg8[%dma_wait3A_31] : memref<3200xi32, #tpu.memory_space<vmem>> -> memref<3120xi32, #tpu.memory_space<vmem>>
    %dma_wait3A_33 = arith.constant 0 : i32
    %dma_wait3A_34 = tpu.memref_slice %arg4[%dma_wait3A_33] : memref<100000xi32, #tpu.memory_space<hbm>> -> memref<3120xi32, #tpu.memory_space<hbm>>
    tpu.wait_dma2 semaphore(%arg18 : memref<!tpu.dma_semaphore, #tpu.memory_space<semaphore_mem>>) src(%dma_wait3A_34 : memref<3120xi32, #tpu.memory_space<hbm>>) dst(%dma_wait3A_32 : memref<3120xi32, #tpu.memory_space<vmem>>)
    %dma_wait3A_35 = arith.constant 0 : i32
    %dma_wait3A_36 = tpu.memref_slice %arg9[%dma_wait3A_35] : memref<3200xi32, #tpu.memory_space<vmem>> -> memref<3120xi32, #tpu.memory_space<vmem>>
    %dma_wait3A_37 = arith.constant 0 : i32
    %dma_wait3A_38 = tpu.memref_slice %arg5[%dma_wait3A_37] : memref<100000xi32, #tpu.memory_space<hbm>> -> memref<3120xi32, #tpu.memory_space<hbm>>
    %dma_wait3A_39 = arith.constant 0 : i32
    %dma_wait3A_40 = tpu.memref_slice %arg9[%dma_wait3A_39] : memref<3200xi32, #tpu.memory_space<vmem>> -> memref<3120xi32, #tpu.memory_space<vmem>>
    %dma_wait3A_41 = arith.constant 0 : i32
    %dma_wait3A_42 = tpu.memref_slice %arg5[%dma_wait3A_41] : memref<100000xi32, #tpu.memory_space<hbm>> -> memref<3120xi32, #tpu.memory_space<hbm>>
    tpu.wait_dma2 semaphore(%arg18 : memref<!tpu.dma_semaphore, #tpu.memory_space<semaphore_mem>>) src(%dma_wait3A_42 : memref<3120xi32, #tpu.memory_space<hbm>>) dst(%dma_wait3A_40 : memref<3120xi32, #tpu.memory_space<vmem>>)
    %dma_wait3A_43 = arith.constant 0 : i32
    %dma_wait3A_44 = tpu.memref_slice %arg10[%dma_wait3A_43] : memref<3200xi32, #tpu.memory_space<vmem>> -> memref<3120xi32, #tpu.memory_space<vmem>>
    %dma_wait3A_45 = arith.constant 0 : i32
    %dma_wait3A_46 = tpu.memref_slice %arg6[%dma_wait3A_45] : memref<100000xi32, #tpu.memory_space<hbm>> -> memref<3120xi32, #tpu.memory_space<hbm>>
    %dma_wait3A_47 = arith.constant 0 : i32
    %dma_wait3A_48 = tpu.memref_slice %arg10[%dma_wait3A_47] : memref<3200xi32, #tpu.memory_space<vmem>> -> memref<3120xi32, #tpu.memory_space<vmem>>
    %dma_wait3A_49 = arith.constant 0 : i32
    %dma_wait3A_50 = tpu.memref_slice %arg6[%dma_wait3A_49] : memref<100000xi32, #tpu.memory_space<hbm>> -> memref<3120xi32, #tpu.memory_space<hbm>>
    tpu.wait_dma2 semaphore(%arg18 : memref<!tpu.dma_semaphore, #tpu.memory_space<semaphore_mem>>) src(%dma_wait3A_50 : memref<3120xi32, #tpu.memory_space<hbm>>) dst(%dma_wait3A_48 : memref<3120xi32, #tpu.memory_space<vmem>>)
    %convert_element_type3A = arith.extui %lt3A_7 : i1 to i32
    %cond3A = arith.constant 0 : i32
    %cond3A_51 = arith.cmpi ne, %convert_element_type3A, %cond3A : i32
    scf.if %cond3A_51 {
      %add3A_91 = arith.constant 39 : i32
      %add3A_92 = arith.addi %add3A_4, %add3A_91 : i32
      %mul3A_93 = arith.constant 80 : i32
      %mul3A_94 = arith.muli %add3A_92, %mul3A_93 : i32
      %multiple_of3A_95 = tpu.assume_multiple %mul3A_94, 8 : i32
      "tpu.region"() ({
        %run_scoped3A = tpu.sem_alloc : memref<!tpu.dma_semaphore, #tpu.memory_space<semaphore_mem>>
        %dma_start3A_96 = arith.constant 3120 : i32
        %dma_start3A_97 = tpu.memref_slice %arg8[%dma_start3A_96] : memref<3200xi32, #tpu.memory_space<vmem>> -> memref<80xi32, #tpu.memory_space<vmem>>
        %dma_start3A_98 = tpu.memref_slice %arg4[%multiple_of3A_95] : memref<100000xi32, #tpu.memory_space<hbm>> -> memref<80xi32, #tpu.memory_space<hbm>>
        %dma_start3A_99 = arith.constant 3120 : i32
        %dma_start3A_100 = tpu.memref_slice %arg8[%dma_start3A_99] : memref<3200xi32, #tpu.memory_space<vmem>> -> memref<80xi32, #tpu.memory_space<vmem>>
        %dma_start3A_101 = tpu.memref_slice %arg4[%multiple_of3A_95] : memref<100000xi32, #tpu.memory_space<hbm>> -> memref<80xi32, #tpu.memory_space<hbm>>
        tpu.enqueue_dma source(%dma_start3A_101 : memref<80xi32, #tpu.memory_space<hbm>>) target(%dma_start3A_100 : memref<80xi32, #tpu.memory_space<vmem>>) target_semaphore(%run_scoped3A : memref<!tpu.dma_semaphore, #tpu.memory_space<semaphore_mem>>)
        %dma_wait3A_102 = arith.constant 3120 : i32
        %dma_wait3A_103 = tpu.memref_slice %arg8[%dma_wait3A_102] : memref<3200xi32, #tpu.memory_space<vmem>> -> memref<80xi32, #tpu.memory_space<vmem>>
        %dma_wait3A_104 = tpu.memref_slice %arg4[%multiple_of3A_95] : memref<100000xi32, #tpu.memory_space<hbm>> -> memref<80xi32, #tpu.memory_space<hbm>>
        %dma_wait3A_105 = arith.constant 3120 : i32
        %dma_wait3A_106 = tpu.memref_slice %arg8[%dma_wait3A_105] : memref<3200xi32, #tpu.memory_space<vmem>> -> memref<80xi32, #tpu.memory_space<vmem>>
        %dma_wait3A_107 = tpu.memref_slice %arg4[%multiple_of3A_95] : memref<100000xi32, #tpu.memory_space<hbm>> -> memref<80xi32, #tpu.memory_space<hbm>>
        tpu.wait_dma2 semaphore(%run_scoped3A : memref<!tpu.dma_semaphore, #tpu.memory_space<semaphore_mem>>) src(%dma_wait3A_107 : memref<80xi32, #tpu.memory_space<hbm>>) dst(%dma_wait3A_106 : memref<80xi32, #tpu.memory_space<vmem>>)
        tpu.yield
      }) : () -> ()
      "tpu.region"() ({
        %run_scoped3A = tpu.sem_alloc : memref<!tpu.dma_semaphore, #tpu.memory_space<semaphore_mem>>
        %dma_start3A_96 = arith.constant 3120 : i32
        %dma_start3A_97 = tpu.memref_slice %arg9[%dma_start3A_96] : memref<3200xi32, #tpu.memory_space<vmem>> -> memref<80xi32, #tpu.memory_space<vmem>>
        %dma_start3A_98 = tpu.memref_slice %arg5[%multiple_of3A_95] : memref<100000xi32, #tpu.memory_space<hbm>> -> memref<80xi32, #tpu.memory_space<hbm>>
        %dma_start3A_99 = arith.constant 3120 : i32
        %dma_start3A_100 = tpu.memref_slice %arg9[%dma_start3A_99] : memref<3200xi32, #tpu.memory_space<vmem>> -> memref<80xi32, #tpu.memory_space<vmem>>
        %dma_start3A_101 = tpu.memref_slice %arg5[%multiple_of3A_95] : memref<100000xi32, #tpu.memory_space<hbm>> -> memref<80xi32, #tpu.memory_space<hbm>>
        tpu.enqueue_dma source(%dma_start3A_101 : memref<80xi32, #tpu.memory_space<hbm>>) target(%dma_start3A_100 : memref<80xi32, #tpu.memory_space<vmem>>) target_semaphore(%run_scoped3A : memref<!tpu.dma_semaphore, #tpu.memory_space<semaphore_mem>>)
        %dma_wait3A_102 = arith.constant 3120 : i32
        %dma_wait3A_103 = tpu.memref_slice %arg9[%dma_wait3A_102] : memref<3200xi32, #tpu.memory_space<vmem>> -> memref<80xi32, #tpu.memory_space<vmem>>
        %dma_wait3A_104 = tpu.memref_slice %arg5[%multiple_of3A_95] : memref<100000xi32, #tpu.memory_space<hbm>> -> memref<80xi32, #tpu.memory_space<hbm>>
        %dma_wait3A_105 = arith.constant 3120 : i32
        %dma_wait3A_106 = tpu.memref_slice %arg9[%dma_wait3A_105] : memref<3200xi32, #tpu.memory_space<vmem>> -> memref<80xi32, #tpu.memory_space<vmem>>
        %dma_wait3A_107 = tpu.memref_slice %arg5[%multiple_of3A_95] : memref<100000xi32, #tpu.memory_space<hbm>> -> memref<80xi32, #tpu.memory_space<hbm>>
        tpu.wait_dma2 semaphore(%run_scoped3A : memref<!tpu.dma_semaphore, #tpu.memory_space<semaphore_mem>>) src(%dma_wait3A_107 : memref<80xi32, #tpu.memory_space<hbm>>) dst(%dma_wait3A_106 : memref<80xi32, #tpu.memory_space<vmem>>)
        tpu.yield
      }) : () -> ()
      "tpu.region"() ({
        %run_scoped3A = tpu.sem_alloc : memref<!tpu.dma_semaphore, #tpu.memory_space<semaphore_mem>>
        %dma_start3A_96 = arith.constant 3120 : i32
        %dma_start3A_97 = tpu.memref_slice %arg10[%dma_start3A_96] : memref<3200xi32, #tpu.memory_space<vmem>> -> memref<80xi32, #tpu.memory_space<vmem>>
        %dma_start3A_98 = tpu.memref_slice %arg6[%multiple_of3A_95] : memref<100000xi32, #tpu.memory_space<hbm>> -> memref<80xi32, #tpu.memory_space<hbm>>
        %dma_start3A_99 = arith.constant 3120 : i32
        %dma_start3A_100 = tpu.memref_slice %arg10[%dma_start3A_99] : memref<3200xi32, #tpu.memory_space<vmem>> -> memref<80xi32, #tpu.memory_space<vmem>>
        %dma_start3A_101 = tpu.memref_slice %arg6[%multiple_of3A_95] : memref<100000xi32, #tpu.memory_space<hbm>> -> memref<80xi32, #tpu.memory_space<hbm>>
        tpu.enqueue_dma source(%dma_start3A_101 : memref<80xi32, #tpu.memory_space<hbm>>) target(%dma_start3A_100 : memref<80xi32, #tpu.memory_space<vmem>>) target_semaphore(%run_scoped3A : memref<!tpu.dma_semaphore, #tpu.memory_space<semaphore_mem>>)
        %dma_wait3A_102 = arith.constant 3120 : i32
        %dma_wait3A_103 = tpu.memref_slice %arg10[%dma_wait3A_102] : memref<3200xi32, #tpu.memory_space<vmem>> -> memref<80xi32, #tpu.memory_space<vmem>>
        %dma_wait3A_104 = tpu.memref_slice %arg6[%multiple_of3A_95] : memref<100000xi32, #tpu.memory_space<hbm>> -> memref<80xi32, #tpu.memory_space<hbm>>
        %dma_wait3A_105 = arith.constant 3120 : i32
        %dma_wait3A_106 = tpu.memref_slice %arg10[%dma_wait3A_105] : memref<3200xi32, #tpu.memory_space<vmem>> -> memref<80xi32, #tpu.memory_space<vmem>>
        %dma_wait3A_107 = tpu.memref_slice %arg6[%multiple_of3A_95] : memref<100000xi32, #tpu.memory_space<hbm>> -> memref<80xi32, #tpu.memory_space<hbm>>
        tpu.wait_dma2 semaphore(%run_scoped3A : memref<!tpu.dma_semaphore, #tpu.memory_space<semaphore_mem>>) src(%dma_wait3A_107 : memref<80xi32, #tpu.memory_space<hbm>>) dst(%dma_wait3A_106 : memref<80xi32, #tpu.memory_space<vmem>>)
        tpu.yield
      }) : () -> ()
    } else {
    }
    %parallel_loop3A = arith.constant 0 : i32
    %parallel_loop3A_52 = arith.constant 200 : i32
    %parallel_loop3A_53 = arith.constant 1 : i32
    scf.for %parallel_loop3A_91 = %parallel_loop3A to %parallel_loop3A_52 step %parallel_loop3A_53  : i32 {
      %parallel_loop3A_92 = arith.constant 16 : i32
      %parallel_loop3A_93 = arith.muli %parallel_loop3A_91, %parallel_loop3A_92 : i32
      %parallel_loop3A_94 = arith.index_cast %parallel_loop3A_93 : i32 to index
      %parallel_loop3A_95 = tpu.vector_load %arg8[%parallel_loop3A_94] {strides = array<i32>} : memref<3200xi32, #tpu.memory_space<vmem>>, vector<16xi32>,
      %parallel_loop3A_96 = arith.constant 0 : i32
      %parallel_loop3A_97 = arith.constant 97 : i32
      %parallel_loop3A_98 = vector.broadcast %parallel_loop3A_96 : i32 to vector<16xi32>
      %parallel_loop3A_99 = arith.maxsi %parallel_loop3A_98, %parallel_loop3A_95 : vector<16xi32>
      %parallel_loop3A_100 = vector.broadcast %parallel_loop3A_97 : i32 to vector<16xi32>
      %parallel_loop3A_101 = arith.minsi %parallel_loop3A_100, %parallel_loop3A_99 : vector<16xi32>
      %parallel_loop3A_102 = arith.index_cast %parallel_loop3A_93 : i32 to index
      %parallel_loop3A_103 = tpu.vector_load %arg10[%parallel_loop3A_102] {strides = array<i32>} : memref<3200xi32, #tpu.memory_space<vmem>>, vector<16xi32>,
      %parallel_loop3A_104 = arith.constant 0 : i32
      %parallel_loop3A_105 = arith.constant 20 : i32
      %parallel_loop3A_106 = vector.broadcast %parallel_loop3A_104 : i32 to vector<16xi32>
      %parallel_loop3A_107 = arith.maxsi %parallel_loop3A_106, %parallel_loop3A_103 : vector<16xi32>
      %parallel_loop3A_108 = vector.broadcast %parallel_loop3A_105 : i32 to vector<16xi32>
      %parallel_loop3A_109 = arith.minsi %parallel_loop3A_108, %parallel_loop3A_107 : vector<16xi32>
      %parallel_loop3A_110 = arith.constant 21 : i32
      %parallel_loop3A_111 = vector.broadcast %parallel_loop3A_110 : i32 to vector<16xi32>
      %parallel_loop3A_112 = arith.muli %parallel_loop3A_101, %parallel_loop3A_111 : vector<16xi32>
      %parallel_loop3A_113 = arith.addi %parallel_loop3A_112, %parallel_loop3A_109 : vector<16xi32>
      %parallel_loop3A_114 = arith.index_cast %parallel_loop3A_93 : i32 to index
      %parallel_loop3A_115 = tpu.vector_load %arg11[%parallel_loop3A_114] {strides = array<i32>} : memref<3200xi32, #tpu.memory_space<vmem>>, vector<16xi32>,
      tpu.vector_store %arg11[%parallel_loop3A_114], %parallel_loop3A_113 {strides = array<i32>} : memref<3200xi32, #tpu.memory_space<vmem>>, vector<16xi32>,
      %parallel_loop3A_116 = arith.index_cast %parallel_loop3A_93 : i32 to index
      %parallel_loop3A_117 = tpu.vector_load %arg9[%parallel_loop3A_116] {strides = array<i32>} : memref<3200xi32, #tpu.memory_space<vmem>>, vector<16xi32>,
      %parallel_loop3A_118 = arith.constant 0 : i32
      %parallel_loop3A_119 = arith.constant 10029 : i32
      %parallel_loop3A_120 = vector.broadcast %parallel_loop3A_118 : i32 to vector<16xi32>
      %parallel_loop3A_121 = arith.maxsi %parallel_loop3A_120, %parallel_loop3A_117 : vector<16xi32>
      %parallel_loop3A_122 = vector.broadcast %parallel_loop3A_119 : i32 to vector<16xi32>
      %parallel_loop3A_123 = arith.minsi %parallel_loop3A_122, %parallel_loop3A_121 : vector<16xi32>
      %parallel_loop3A_124 = arith.index_cast %parallel_loop3A_93 : i32 to index
      %parallel_loop3A_125 = tpu.vector_load %arg9[%parallel_loop3A_124] {strides = array<i32>} : memref<3200xi32, #tpu.memory_space<vmem>>, vector<16xi32>,
      tpu.vector_store %arg9[%parallel_loop3A_124], %parallel_loop3A_123 {strides = array<i32>} : memref<3200xi32, #tpu.memory_space<vmem>>, vector<16xi32>,
    } {sc.loop_unroll_factor = 4 : i64, sc.parallel_access}
    %dma_start3A_54 = arith.constant 0 : i32
    %dma_start3A_55 = tpu.memref_slice %arg11[%dma_start3A_54] : memref<3200xi32, #tpu.memory_space<vmem>> -> memref<128xi32, #tpu.memory_space<vmem>>
    %dma_start3A_56 = arith.constant 0 : i32
    %dma_start3A_57 = arith.constant 0 : i32
    %dma_start3A_58 = tpu.memref_slice %arg2[%dma_start3A_56, %dma_start3A_57] : memref<2058x128xf32, #tpu.memory_space<hbm>> -> memref<2058x128xf32, #tpu.memory_space<hbm>>
    tpu.enqueue_indirect_dma source(%dma_start3A_58 : memref<2058x128xf32, #tpu.memory_space<hbm>>) target(%arg12 : memref<128x128xf32, #tpu.memory_space<vmem>>) offsets(%dma_start3A_55 : memref<128xi32, #tpu.memory_space<vmem>>) semaphore(%arg19 : memref<!tpu.dma_semaphore, #tpu.memory_space<semaphore_mem>>)
    %dma_start3A_59 = arith.constant 0 : i32
    %dma_start3A_60 = tpu.memref_slice %arg9[%dma_start3A_59] : memref<3200xi32, #tpu.memory_space<vmem>> -> memref<128xi32, #tpu.memory_space<vmem>>
    %dma_start3A_61 = arith.constant 0 : i32
    %dma_start3A_62 = arith.constant 0 : i32
    %dma_start3A_63 = tpu.memref_slice %arg3[%dma_start3A_61, %dma_start3A_62] : memref<10030x128xf32, #tpu.memory_space<hbm>> -> memref<10030x128xf32, #tpu.memory_space<hbm>>
    tpu.enqueue_indirect_dma source(%dma_start3A_63 : memref<10030x128xf32, #tpu.memory_space<hbm>>) target(%arg14 : memref<128x128xf32, #tpu.memory_space<vmem>>) offsets(%dma_start3A_60 : memref<128xi32, #tpu.memory_space<vmem>>) semaphore(%arg19 : memref<!tpu.dma_semaphore, #tpu.memory_space<semaphore_mem>>)
    %dma_start3A_64 = arith.constant 128 : i32
    %dma_start3A_65 = tpu.memref_slice %arg11[%dma_start3A_64] : memref<3200xi32, #tpu.memory_space<vmem>> -> memref<128xi32, #tpu.memory_space<vmem>>
    %dma_start3A_66 = arith.constant 0 : i32
    %dma_start3A_67 = arith.constant 0 : i32
    %dma_start3A_68 = tpu.memref_slice %arg2[%dma_start3A_66, %dma_start3A_67] : memref<2058x128xf32, #tpu.memory_space<hbm>> -> memref<2058x128xf32, #tpu.memory_space<hbm>>
    tpu.enqueue_indirect_dma source(%dma_start3A_68 : memref<2058x128xf32, #tpu.memory_space<hbm>>) target(%arg13 : memref<128x128xf32, #tpu.memory_space<vmem>>) offsets(%dma_start3A_65 : memref<128xi32, #tpu.memory_space<vmem>>) semaphore(%arg20 : memref<!tpu.dma_semaphore, #tpu.memory_space<semaphore_mem>>)
    %dma_start3A_69 = arith.constant 128 : i32
    %dma_start3A_70 = tpu.memref_slice %arg9[%dma_start3A_69] : memref<3200xi32, #tpu.memory_space<vmem>> -> memref<128xi32, #tpu.memory_space<vmem>>
    %dma_start3A_71 = arith.constant 0 : i32
    %dma_start3A_72 = arith.constant 0 : i32
    %dma_start3A_73 = tpu.memref_slice %arg3[%dma_start3A_71, %dma_start3A_72] : memref<10030x128xf32, #tpu.memory_space<hbm>> -> memref<10030x128xf32, #tpu.memory_space<hbm>>
    tpu.enqueue_indirect_dma source(%dma_start3A_73 : memref<10030x128xf32, #tpu.memory_space<hbm>>) target(%arg15 : memref<128x128xf32, #tpu.memory_space<vmem>>) offsets(%dma_start3A_70 : memref<128xi32, #tpu.memory_space<vmem>>) semaphore(%arg20 : memref<!tpu.dma_semaphore, #tpu.memory_space<semaphore_mem>>)
    %scan3A = arith.constant 0 : i32
    %scan3A_74 = arith.constant 0 : i32
    %scan3A_75 = arith.constant 13 : i32
    %scan3A_76 = arith.addi %scan3A_74, %scan3A_75 : i32
    %scan3A_77 = arith.constant 1 : i32
    scf.for %scan3A_91 = %scan3A_74 to %scan3A_76 step %scan3A_77  : i32 {
      %mul3A_92 = arith.constant 2 : i32
      %mul3A_93 = arith.muli %mul3A_92, %scan3A_91 : i32
      %add3A_94 = arith.constant 0 : i32
      %add3A_95 = arith.addi %mul3A_93, %add3A_94 : i32
      %lt3A_96 = arith.cmpi slt, %add3A_95, %add3A_10 : i32
      %convert_element_type3A_97 = arith.extui %lt3A_96 : i1 to i32
      %cond3A_98 = arith.constant 0 : i32
      %cond3A_99 = arith.cmpi ne, %convert_element_type3A_97, %cond3A_98 : i32
      scf.if %cond3A_99 {
        %mul3A_108 = arith.constant 128 : i32
        %mul3A_109 = arith.muli %add3A_95, %mul3A_108 : i32
        %dma_wait3A_110 = tpu.memref_slice %arg11[%mul3A_109] : memref<3200xi32, #tpu.memory_space<vmem>> -> memref<128xi32, #tpu.memory_space<vmem>>
        %dma_wait3A_111 = arith.constant 0 : i32
        %dma_wait3A_112 = arith.constant 0 : i32
        %dma_wait3A_113 = tpu.memref_slice %arg2[%dma_wait3A_111, %dma_wait3A_112] : memref<2058x128xf32, #tpu.memory_space<hbm>> -> memref<2058x128xf32, #tpu.memory_space<hbm>>
        tpu.wait_indirect_dma semaphore(%arg19 : memref<!tpu.dma_semaphore, #tpu.memory_space<semaphore_mem>>) src(%dma_wait3A_113 : memref<2058x128xf32, #tpu.memory_space<hbm>>) dst(%arg12 : memref<128x128xf32, #tpu.memory_space<vmem>>)
        %mul3A_114 = arith.constant 128 : i32
        %mul3A_115 = arith.muli %add3A_95, %mul3A_114 : i32
        %dma_wait3A_116 = tpu.memref_slice %arg9[%mul3A_115] : memref<3200xi32, #tpu.memory_space<vmem>> -> memref<128xi32, #tpu.memory_space<vmem>>
        %dma_wait3A_117 = arith.constant 0 : i32
        %dma_wait3A_118 = arith.constant 0 : i32
        %dma_wait3A_119 = tpu.memref_slice %arg3[%dma_wait3A_117, %dma_wait3A_118] : memref<10030x128xf32, #tpu.memory_space<hbm>> -> memref<10030x128xf32, #tpu.memory_space<hbm>>
        tpu.wait_indirect_dma semaphore(%arg19 : memref<!tpu.dma_semaphore, #tpu.memory_space<semaphore_mem>>) src(%dma_wait3A_119 : memref<10030x128xf32, #tpu.memory_space<hbm>>) dst(%arg14 : memref<128x128xf32, #tpu.memory_space<vmem>>)
        %gt3A = arith.constant 0 : i32
        %gt3A_120 = arith.cmpi sgt, %scan3A_91, %gt3A : i32
        %convert_element_type3A_121 = arith.extui %gt3A_120 : i1 to i32
        %cond3A_122 = arith.constant 0 : i32
        %cond3A_123 = arith.cmpi ne, %convert_element_type3A_121, %cond3A_122 : i32
        scf.if %cond3A_123 {
          %dma_wait3A_141 = arith.constant 0 : i32
          %dma_wait3A_142 = tpu.memref_slice %arg7[%dma_wait3A_141] : memref<12800000xf32, #tpu.memory_space<hbm>> -> memref<16384xf32, #tpu.memory_space<hbm>>
          %dma_wait3A_143 = arith.constant 0 : i32
          %dma_wait3A_144 = tpu.memref_slice %arg7[%dma_wait3A_143] : memref<12800000xf32, #tpu.memory_space<hbm>> -> memref<16384xf32, #tpu.memory_space<hbm>>
          tpu.wait_dma2 semaphore(%arg21 : memref<!tpu.dma_semaphore, #tpu.memory_space<semaphore_mem>>) src(%arg16 : memref<16384xf32, #tpu.memory_space<vmem>>) dst(%dma_wait3A_144 : memref<16384xf32, #tpu.memory_space<hbm>>)
        } else {
        }
        %parallel_loop3A_124 = arith.constant 0 : i32
        %parallel_loop3A_125 = arith.constant 128 : i32
        %parallel_loop3A_126 = arith.constant 1 : i32
        scf.for %parallel_loop3A_141 = %parallel_loop3A_124 to %parallel_loop3A_125 step %parallel_loop3A_126  : i32 {
          %parallel_loop3A_142 = arith.index_cast %parallel_loop3A_141 : i32 to index
          %parallel_loop3A_143 = arith.constant 0 : index
          %parallel_loop3A_144 = tpu.vector_load %arg12[%parallel_loop3A_142, %parallel_loop3A_143] {strides = array<i32>} : memref<128x128xf32, #tpu.memory_space<vmem>>, vector<16xf32>,
          %parallel_loop3A_145 = arith.index_cast %parallel_loop3A_141 : i32 to index
          %parallel_loop3A_146 = arith.constant 0 : index
          %parallel_loop3A_147 = tpu.vector_load %arg14[%parallel_loop3A_145, %parallel_loop3A_146] {strides = array<i32>} : memref<128x128xf32, #tpu.memory_space<vmem>>, vector<16xf32>,
          %parallel_loop3A_148 = arith.addf %parallel_loop3A_144, %parallel_loop3A_147 : vector<16xf32>
          %parallel_loop3A_149 = arith.constant 128 : i32
          %parallel_loop3A_150 = arith.muli %parallel_loop3A_141, %parallel_loop3A_149 : i32
          %parallel_loop3A_151 = arith.constant 0 : i32
          %parallel_loop3A_152 = arith.addi %parallel_loop3A_150, %parallel_loop3A_151 : i32
          %parallel_loop3A_153 = arith.index_cast %parallel_loop3A_152 : i32 to index
          %parallel_loop3A_154 = tpu.vector_load %arg16[%parallel_loop3A_153] {strides = array<i32>} : memref<16384xf32, #tpu.memory_space<vmem>>, vector<16xf32>,
          tpu.vector_store %arg16[%parallel_loop3A_153], %parallel_loop3A_148 {strides = array<i32>} : memref<16384xf32, #tpu.memory_space<vmem>>, vector<16xf32>,
          %parallel_loop3A_155 = arith.index_cast %parallel_loop3A_141 : i32 to index
          %parallel_loop3A_156 = arith.constant 16 : index
          %parallel_loop3A_157 = tpu.vector_load %arg12[%parallel_loop3A_155, %parallel_loop3A_156] {strides = array<i32>} : memref<128x128xf32, #tpu.memory_space<vmem>>, vector<16xf32>,
          %parallel_loop3A_158 = arith.index_cast %parallel_loop3A_141 : i32 to index
          %parallel_loop3A_159 = arith.constant 16 : index
          %parallel_loop3A_160 = tpu.vector_load %arg14[%parallel_loop3A_158, %parallel_loop3A_159] {strides = array<i32>} : memref<128x128xf32, #tpu.memory_space<vmem>>, vector<16xf32>,
          %parallel_loop3A_161 = arith.addf %parallel_loop3A_157, %parallel_loop3A_160 : vector<16xf32>
          %parallel_loop3A_162 = arith.constant 128 : i32
          %parallel_loop3A_163 = arith.muli %parallel_loop3A_141, %parallel_loop3A_162 : i32
          %parallel_loop3A_164 = arith.constant 16 : i32
          %parallel_loop3A_165 = arith.addi %parallel_loop3A_163, %parallel_loop3A_164 : i32
          %parallel_loop3A_166 = arith.index_cast %parallel_loop3A_165 : i32 to index
          %parallel_loop3A_167 = tpu.vector_load %arg16[%parallel_loop3A_166] {strides = array<i32>} : memref<16384xf32, #tpu.memory_space<vmem>>, vector<16xf32>,
          tpu.vector_store %arg16[%parallel_loop3A_166], %parallel_loop3A_161 {strides = array<i32>} : memref<16384xf32, #tpu.memory_space<vmem>>, vector<16xf32>,
          %parallel_loop3A_168 = arith.index_cast %parallel_loop3A_141 : i32 to index
          %parallel_loop3A_169 = arith.constant 32 : index
          %parallel_loop3A_170 = tpu.vector_load %arg12[%parallel_loop3A_168, %parallel_loop3A_169] {strides = array<i32>} : memref<128x128xf32, #tpu.memory_space<vmem>>, vector<16xf32>,
          %parallel_loop3A_171 = arith.index_cast %parallel_loop3A_141 : i32 to index
          %parallel_loop3A_172 = arith.constant 32 : index
          %parallel_loop3A_173 = tpu.vector_load %arg14[%parallel_loop3A_171, %parallel_loop3A_172] {strides = array<i32>} : memref<128x128xf32, #tpu.memory_space<vmem>>, vector<16xf32>,
          %parallel_loop3A_174 = arith.addf %parallel_loop3A_170, %parallel_loop3A_173 : vector<16xf32>
          %parallel_loop3A_175 = arith.constant 128 : i32
          %parallel_loop3A_176 = arith.muli %parallel_loop3A_141, %parallel_loop3A_175 : i32
          %parallel_loop3A_177 = arith.constant 32 : i32
          %parallel_loop3A_178 = arith.addi %parallel_loop3A_176, %parallel_loop3A_177 : i32
          %parallel_loop3A_179 = arith.index_cast %parallel_loop3A_178 : i32 to index
          %parallel_loop3A_180 = tpu.vector_load %arg16[%parallel_loop3A_179] {strides = array<i32>} : memref<16384xf32, #tpu.memory_space<vmem>>, vector<16xf32>,
          tpu.vector_store %arg16[%parallel_loop3A_179], %parallel_loop3A_174 {strides = array<i32>} : memref<16384xf32, #tpu.memory_space<vmem>>, vector<16xf32>,
          %parallel_loop3A_181 = arith.index_cast %parallel_loop3A_141 : i32 to index
          %parallel_loop3A_182 = arith.constant 48 : index
          %parallel_loop3A_183 = tpu.vector_load %arg12[%parallel_loop3A_181, %parallel_loop3A_182] {strides = array<i32>} : memref<128x128xf32, #tpu.memory_space<vmem>>, vector<16xf32>,
          %parallel_loop3A_184 = arith.index_cast %parallel_loop3A_141 : i32 to index
          %parallel_loop3A_185 = arith.constant 48 : index
          %parallel_loop3A_186 = tpu.vector_load %arg14[%parallel_loop3A_184, %parallel_loop3A_185] {strides = array<i32>} : memref<128x128xf32, #tpu.memory_space<vmem>>, vector<16xf32>,
          %parallel_loop3A_187 = arith.addf %parallel_loop3A_183, %parallel_loop3A_186 : vector<16xf32>
          %parallel_loop3A_188 = arith.constant 128 : i32
          %parallel_loop3A_189 = arith.muli %parallel_loop3A_141, %parallel_loop3A_188 : i32
          %parallel_loop3A_190 = arith.constant 48 : i32
          %parallel_loop3A_191 = arith.addi %parallel_loop3A_189, %parallel_loop3A_190 : i32
          %parallel_loop3A_192 = arith.index_cast %parallel_loop3A_191 : i32 to index
          %parallel_loop3A_193 = tpu.vector_load %arg16[%parallel_loop3A_192] {strides = array<i32>} : memref<16384xf32, #tpu.memory_space<vmem>>, vector<16xf32>,
          tpu.vector_store %arg16[%parallel_loop3A_192], %parallel_loop3A_187 {strides = array<i32>} : memref<16384xf32, #tpu.memory_space<vmem>>, vector<16xf32>,
          %parallel_loop3A_194 = arith.index_cast %parallel_loop3A_141 : i32 to index
          %parallel_loop3A_195 = arith.constant 64 : index
          %parallel_loop3A_196 = tpu.vector_load %arg12[%parallel_loop3A_194, %parallel_loop3A_195] {strides = array<i32>} : memref<128x128xf32, #tpu.memory_space<vmem>>, vector<16xf32>,
          %parallel_loop3A_197 = arith.index_cast %parallel_loop3A_141 : i32 to index
          %parallel_loop3A_198 = arith.constant 64 : index
          %parallel_loop3A_199 = tpu.vector_load %arg14[%parallel_loop3A_197, %parallel_loop3A_198] {strides = array<i32>} : memref<128x128xf32, #tpu.memory_space<vmem>>, vector<16xf32>,
          %parallel_loop3A_200 = arith.addf %parallel_loop3A_196, %parallel_loop3A_199 : vector<16xf32>
          %parallel_loop3A_201 = arith.constant 128 : i32
          %parallel_loop3A_202 = arith.muli %parallel_loop3A_141, %parallel_loop3A_201 : i32
          %parallel_loop3A_203 = arith.constant 64 : i32
          %parallel_loop3A_204 = arith.addi %parallel_loop3A_202, %parallel_loop3A_203 : i32
          %parallel_loop3A_205 = arith.index_cast %parallel_loop3A_204 : i32 to index
          %parallel_loop3A_206 = tpu.vector_load %arg16[%parallel_loop3A_205] {strides = array<i32>} : memref<16384xf32, #tpu.memory_space<vmem>>, vector<16xf32>,
          tpu.vector_store %arg16[%parallel_loop3A_205], %parallel_loop3A_200 {strides = array<i32>} : memref<16384xf32, #tpu.memory_space<vmem>>, vector<16xf32>,
          %parallel_loop3A_207 = arith.index_cast %parallel_loop3A_141 : i32 to index
          %parallel_loop3A_208 = arith.constant 80 : index
          %parallel_loop3A_209 = tpu.vector_load %arg12[%parallel_loop3A_207, %parallel_loop3A_208] {strides = array<i32>} : memref<128x128xf32, #tpu.memory_space<vmem>>, vector<16xf32>,
          %parallel_loop3A_210 = arith.index_cast %parallel_loop3A_141 : i32 to index
          %parallel_loop3A_211 = arith.constant 80 : index
          %parallel_loop3A_212 = tpu.vector_load %arg14[%parallel_loop3A_210, %parallel_loop3A_211] {strides = array<i32>} : memref<128x128xf32, #tpu.memory_space<vmem>>, vector<16xf32>,
          %parallel_loop3A_213 = arith.addf %parallel_loop3A_209, %parallel_loop3A_212 : vector<16xf32>
          %parallel_loop3A_214 = arith.constant 128 : i32
          %parallel_loop3A_215 = arith.muli %parallel_loop3A_141, %parallel_loop3A_214 : i32
          %parallel_loop3A_216 = arith.constant 80 : i32
          %parallel_loop3A_217 = arith.addi %parallel_loop3A_215, %parallel_loop3A_216 : i32
          %parallel_loop3A_218 = arith.index_cast %parallel_loop3A_217 : i32 to index
          %parallel_loop3A_219 = tpu.vector_load %arg16[%parallel_loop3A_218] {strides = array<i32>} : memref<16384xf32, #tpu.memory_space<vmem>>, vector<16xf32>,
          tpu.vector_store %arg16[%parallel_loop3A_218], %parallel_loop3A_213 {strides = array<i32>} : memref<16384xf32, #tpu.memory_space<vmem>>, vector<16xf32>,
          %parallel_loop3A_220 = arith.index_cast %parallel_loop3A_141 : i32 to index
          %parallel_loop3A_221 = arith.constant 96 : index
          %parallel_loop3A_222 = tpu.vector_load %arg12[%parallel_loop3A_220, %parallel_loop3A_221] {strides = array<i32>} : memref<128x128xf32, #tpu.memory_space<vmem>>, vector<16xf32>,
          %parallel_loop3A_223 = arith.index_cast %parallel_loop3A_141 : i32 to index
          %parallel_loop3A_224 = arith.constant 96 : index
          %parallel_loop3A_225 = tpu.vector_load %arg14[%parallel_loop3A_223, %parallel_loop3A_224] {strides = array<i32>} : memref<128x128xf32, #tpu.memory_space<vmem>>, vector<16xf32>,
          %parallel_loop3A_226 = arith.addf %parallel_loop3A_222, %parallel_loop3A_225 : vector<16xf32>
          %parallel_loop3A_227 = arith.constant 128 : i32
          %parallel_loop3A_228 = arith.muli %parallel_loop3A_141, %parallel_loop3A_227 : i32
          %parallel_loop3A_229 = arith.constant 96 : i32
          %parallel_loop3A_230 = arith.addi %parallel_loop3A_228, %parallel_loop3A_229 : i32
          %parallel_loop3A_231 = arith.index_cast %parallel_loop3A_230 : i32 to index
          %parallel_loop3A_232 = tpu.vector_load %arg16[%parallel_loop3A_231] {strides = array<i32>} : memref<16384xf32, #tpu.memory_space<vmem>>, vector<16xf32>,
          tpu.vector_store %arg16[%parallel_loop3A_231], %parallel_loop3A_226 {strides = array<i32>} : memref<16384xf32, #tpu.memory_space<vmem>>, vector<16xf32>,
          %parallel_loop3A_233 = arith.index_cast %parallel_loop3A_141 : i32 to index
          %parallel_loop3A_234 = arith.constant 112 : index
          %parallel_loop3A_235 = tpu.vector_load %arg12[%parallel_loop3A_233, %parallel_loop3A_234] {strides = array<i32>} : memref<128x128xf32, #tpu.memory_space<vmem>>, vector<16xf32>,
          %parallel_loop3A_236 = arith.index_cast %parallel_loop3A_141 : i32 to index
          %parallel_loop3A_237 = arith.constant 112 : index
          %parallel_loop3A_238 = tpu.vector_load %arg14[%parallel_loop3A_236, %parallel_loop3A_237] {strides = array<i32>} : memref<128x128xf32, #tpu.memory_space<vmem>>, vector<16xf32>,
          %parallel_loop3A_239 = arith.addf %parallel_loop3A_235, %parallel_loop3A_238 : vector<16xf32>
          %parallel_loop3A_240 = arith.constant 128 : i32
          %parallel_loop3A_241 = arith.muli %parallel_loop3A_141, %parallel_loop3A_240 : i32
          %parallel_loop3A_242 = arith.constant 112 : i32
          %parallel_loop3A_243 = arith.addi %parallel_loop3A_241, %parallel_loop3A_242 : i32
          %parallel_loop3A_244 = arith.index_cast %parallel_loop3A_243 : i32 to index
          %parallel_loop3A_245 = tpu.vector_load %arg16[%parallel_loop3A_244] {strides = array<i32>} : memref<16384xf32, #tpu.memory_space<vmem>>, vector<16xf32>,
          tpu.vector_store %arg16[%parallel_loop3A_244], %parallel_loop3A_239 {strides = array<i32>} : memref<16384xf32, #tpu.memory_space<vmem>>, vector<16xf32>,
        } {sc.loop_unroll_factor = 4 : i64, sc.parallel_access}
        %mul3A_127 = arith.constant 128 : i32
        %mul3A_128 = arith.muli %multiple_of3A, %mul3A_127 : i32
        %mul3A_129 = arith.constant 16384 : i32
        %mul3A_130 = arith.muli %add3A_95, %mul3A_129 : i32
        %add3A_131 = arith.addi %mul3A_128, %mul3A_130 : i32
        %multiple_of3A_132 = tpu.assume_multiple %add3A_131, 8 : i32
        %dma_start3A_133 = tpu.memref_slice %arg7[%multiple_of3A_132] : memref<12800000xf32, #tpu.memory_space<hbm>> -> memref<16384xf32, #tpu.memory_space<hbm>>
        %dma_start3A_134 = tpu.memref_slice %arg7[%multiple_of3A_132] : memref<12800000xf32, #tpu.memory_space<hbm>> -> memref<16384xf32, #tpu.memory_space<hbm>>
        tpu.enqueue_dma source(%arg16 : memref<16384xf32, #tpu.memory_space<vmem>>) target(%dma_start3A_134 : memref<16384xf32, #tpu.memory_space<hbm>>) target_semaphore(%arg21 : memref<!tpu.dma_semaphore, #tpu.memory_space<semaphore_mem>>)
        %add3A_135 = arith.constant 2 : i32
        %add3A_136 = arith.addi %add3A_95, %add3A_135 : i32
        %lt3A_137 = arith.cmpi slt, %add3A_136, %add3A_10 : i32
        %convert_element_type3A_138 = arith.extui %lt3A_137 : i1 to i32
        %cond3A_139 = arith.constant 0 : i32
        %cond3A_140 = arith.cmpi ne, %convert_element_type3A_138, %cond3A_139 : i32
        scf.if %cond3A_140 {
          %add3A_141 = arith.constant 2 : i32
          %add3A_142 = arith.addi %add3A_95, %add3A_141 : i32
          %mul3A_143 = arith.constant 128 : i32
          %mul3A_144 = arith.muli %add3A_142, %mul3A_143 : i32
          %dma_start3A_145 = tpu.memref_slice %arg11[%mul3A_144] : memref<3200xi32, #tpu.memory_space<vmem>> -> memref<128xi32, #tpu.memory_space<vmem>>
          %dma_start3A_146 = arith.constant 0 : i32
          %dma_start3A_147 = arith.constant 0 : i32
          %dma_start3A_148 = tpu.memref_slice %arg2[%dma_start3A_146, %dma_start3A_147] : memref<2058x128xf32, #tpu.memory_space<hbm>> -> memref<2058x128xf32, #tpu.memory_space<hbm>>
          tpu.enqueue_indirect_dma source(%dma_start3A_148 : memref<2058x128xf32, #tpu.memory_space<hbm>>) target(%arg12 : memref<128x128xf32, #tpu.memory_space<vmem>>) offsets(%dma_start3A_145 : memref<128xi32, #tpu.memory_space<vmem>>) semaphore(%arg19 : memref<!tpu.dma_semaphore, #tpu.memory_space<semaphore_mem>>)
          %mul3A_149 = arith.constant 128 : i32
          %mul3A_150 = arith.muli %add3A_142, %mul3A_149 : i32
          %dma_start3A_151 = tpu.memref_slice %arg9[%mul3A_150] : memref<3200xi32, #tpu.memory_space<vmem>> -> memref<128xi32, #tpu.memory_space<vmem>>
          %dma_start3A_152 = arith.constant 0 : i32
          %dma_start3A_153 = arith.constant 0 : i32
          %dma_start3A_154 = tpu.memref_slice %arg3[%dma_start3A_152, %dma_start3A_153] : memref<10030x128xf32, #tpu.memory_space<hbm>> -> memref<10030x128xf32, #tpu.memory_space<hbm>>
          tpu.enqueue_indirect_dma source(%dma_start3A_154 : memref<10030x128xf32, #tpu.memory_space<hbm>>) target(%arg14 : memref<128x128xf32, #tpu.memory_space<vmem>>) offsets(%dma_start3A_151 : memref<128xi32, #tpu.memory_space<vmem>>) semaphore(%arg19 : memref<!tpu.dma_semaphore, #tpu.memory_space<semaphore_mem>>)
        } else {
        }
      } else {
      }
      %mul3A_100 = arith.constant 2 : i32
      %mul3A_101 = arith.muli %mul3A_100, %scan3A_91 : i32
      %add3A_102 = arith.constant 1 : i32
      %add3A_103 = arith.addi %mul3A_101, %add3A_102 : i32
      %lt3A_104 = arith.cmpi slt, %add3A_103, %add3A_10 : i32
      %convert_element_type3A_105 = arith.extui %lt3A_104 : i1 to i32
      %cond3A_106 = arith.constant 0 : i32
      %cond3A_107 = arith.cmpi ne, %convert_element_type3A_105, %cond3A_106 : i32
      scf.if %cond3A_107 {
        %mul3A_108 = arith.constant 128 : i32
        %mul3A_109 = arith.muli %add3A_103, %mul3A_108 : i32
        %dma_wait3A_110 = tpu.memref_slice %arg11[%mul3A_109] : memref<3200xi32, #tpu.memory_space<vmem>> -> memref<128xi32, #tpu.memory_space<vmem>>
        %dma_wait3A_111 = arith.constant 0 : i32
        %dma_wait3A_112 = arith.constant 0 : i32
        %dma_wait3A_113 = tpu.memref_slice %arg2[%dma_wait3A_111, %dma_wait3A_112] : memref<2058x128xf32, #tpu.memory_space<hbm>> -> memref<2058x128xf32, #tpu.memory_space<hbm>>
        tpu.wait_indirect_dma semaphore(%arg20 : memref<!tpu.dma_semaphore, #tpu.memory_space<semaphore_mem>>) src(%dma_wait3A_113 : memref<2058x128xf32, #tpu.memory_space<hbm>>) dst(%arg13 : memref<128x128xf32, #tpu.memory_space<vmem>>)
        %mul3A_114 = arith.constant 128 : i32
        %mul3A_115 = arith.muli %add3A_103, %mul3A_114 : i32
        %dma_wait3A_116 = tpu.memref_slice %arg9[%mul3A_115] : memref<3200xi32, #tpu.memory_space<vmem>> -> memref<128xi32, #tpu.memory_space<vmem>>
        %dma_wait3A_117 = arith.constant 0 : i32
        %dma_wait3A_118 = arith.constant 0 : i32
        %dma_wait3A_119 = tpu.memref_slice %arg3[%dma_wait3A_117, %dma_wait3A_118] : memref<10030x128xf32, #tpu.memory_space<hbm>> -> memref<10030x128xf32, #tpu.memory_space<hbm>>
        tpu.wait_indirect_dma semaphore(%arg20 : memref<!tpu.dma_semaphore, #tpu.memory_space<semaphore_mem>>) src(%dma_wait3A_119 : memref<10030x128xf32, #tpu.memory_space<hbm>>) dst(%arg15 : memref<128x128xf32, #tpu.memory_space<vmem>>)
        %gt3A = arith.constant 0 : i32
        %gt3A_120 = arith.cmpi sgt, %scan3A_91, %gt3A : i32
        %convert_element_type3A_121 = arith.extui %gt3A_120 : i1 to i32
        %cond3A_122 = arith.constant 0 : i32
        %cond3A_123 = arith.cmpi ne, %convert_element_type3A_121, %cond3A_122 : i32
        scf.if %cond3A_123 {
          %dma_wait3A_141 = arith.constant 0 : i32
          %dma_wait3A_142 = tpu.memref_slice %arg7[%dma_wait3A_141] : memref<12800000xf32, #tpu.memory_space<hbm>> -> memref<16384xf32, #tpu.memory_space<hbm>>
          %dma_wait3A_143 = arith.constant 0 : i32
          %dma_wait3A_144 = tpu.memref_slice %arg7[%dma_wait3A_143] : memref<12800000xf32, #tpu.memory_space<hbm>> -> memref<16384xf32, #tpu.memory_space<hbm>>
          tpu.wait_dma2 semaphore(%arg22 : memref<!tpu.dma_semaphore, #tpu.memory_space<semaphore_mem>>) src(%arg17 : memref<16384xf32, #tpu.memory_space<vmem>>) dst(%dma_wait3A_144 : memref<16384xf32, #tpu.memory_space<hbm>>)
        } else {
        }
        %parallel_loop3A_124 = arith.constant 0 : i32
        %parallel_loop3A_125 = arith.constant 128 : i32
        %parallel_loop3A_126 = arith.constant 1 : i32
        scf.for %parallel_loop3A_141 = %parallel_loop3A_124 to %parallel_loop3A_125 step %parallel_loop3A_126  : i32 {
          %parallel_loop3A_142 = arith.index_cast %parallel_loop3A_141 : i32 to index
          %parallel_loop3A_143 = arith.constant 0 : index
          %parallel_loop3A_144 = tpu.vector_load %arg13[%parallel_loop3A_142, %parallel_loop3A_143] {strides = array<i32>} : memref<128x128xf32, #tpu.memory_space<vmem>>, vector<16xf32>,
          %parallel_loop3A_145 = arith.index_cast %parallel_loop3A_141 : i32 to index
          %parallel_loop3A_146 = arith.constant 0 : index
          %parallel_loop3A_147 = tpu.vector_load %arg15[%parallel_loop3A_145, %parallel_loop3A_146] {strides = array<i32>} : memref<128x128xf32, #tpu.memory_space<vmem>>, vector<16xf32>,
          %parallel_loop3A_148 = arith.addf %parallel_loop3A_144, %parallel_loop3A_147 : vector<16xf32>
          %parallel_loop3A_149 = arith.constant 128 : i32
          %parallel_loop3A_150 = arith.muli %parallel_loop3A_141, %parallel_loop3A_149 : i32
          %parallel_loop3A_151 = arith.constant 0 : i32
          %parallel_loop3A_152 = arith.addi %parallel_loop3A_150, %parallel_loop3A_151 : i32
          %parallel_loop3A_153 = arith.index_cast %parallel_loop3A_152 : i32 to index
          %parallel_loop3A_154 = tpu.vector_load %arg17[%parallel_loop3A_153] {strides = array<i32>} : memref<16384xf32, #tpu.memory_space<vmem>>, vector<16xf32>,
          tpu.vector_store %arg17[%parallel_loop3A_153], %parallel_loop3A_148 {strides = array<i32>} : memref<16384xf32, #tpu.memory_space<vmem>>, vector<16xf32>,
          %parallel_loop3A_155 = arith.index_cast %parallel_loop3A_141 : i32 to index
          %parallel_loop3A_156 = arith.constant 16 : index
          %parallel_loop3A_157 = tpu.vector_load %arg13[%parallel_loop3A_155, %parallel_loop3A_156] {strides = array<i32>} : memref<128x128xf32, #tpu.memory_space<vmem>>, vector<16xf32>,
          %parallel_loop3A_158 = arith.index_cast %parallel_loop3A_141 : i32 to index
          %parallel_loop3A_159 = arith.constant 16 : index
          %parallel_loop3A_160 = tpu.vector_load %arg15[%parallel_loop3A_158, %parallel_loop3A_159] {strides = array<i32>} : memref<128x128xf32, #tpu.memory_space<vmem>>, vector<16xf32>,
          %parallel_loop3A_161 = arith.addf %parallel_loop3A_157, %parallel_loop3A_160 : vector<16xf32>
          %parallel_loop3A_162 = arith.constant 128 : i32
          %parallel_loop3A_163 = arith.muli %parallel_loop3A_141, %parallel_loop3A_162 : i32
          %parallel_loop3A_164 = arith.constant 16 : i32
          %parallel_loop3A_165 = arith.addi %parallel_loop3A_163, %parallel_loop3A_164 : i32
          %parallel_loop3A_166 = arith.index_cast %parallel_loop3A_165 : i32 to index
          %parallel_loop3A_167 = tpu.vector_load %arg17[%parallel_loop3A_166] {strides = array<i32>} : memref<16384xf32, #tpu.memory_space<vmem>>, vector<16xf32>,
          tpu.vector_store %arg17[%parallel_loop3A_166], %parallel_loop3A_161 {strides = array<i32>} : memref<16384xf32, #tpu.memory_space<vmem>>, vector<16xf32>,
          %parallel_loop3A_168 = arith.index_cast %parallel_loop3A_141 : i32 to index
          %parallel_loop3A_169 = arith.constant 32 : index
          %parallel_loop3A_170 = tpu.vector_load %arg13[%parallel_loop3A_168, %parallel_loop3A_169] {strides = array<i32>} : memref<128x128xf32, #tpu.memory_space<vmem>>, vector<16xf32>,
          %parallel_loop3A_171 = arith.index_cast %parallel_loop3A_141 : i32 to index
          %parallel_loop3A_172 = arith.constant 32 : index
          %parallel_loop3A_173 = tpu.vector_load %arg15[%parallel_loop3A_171, %parallel_loop3A_172] {strides = array<i32>} : memref<128x128xf32, #tpu.memory_space<vmem>>, vector<16xf32>,
          %parallel_loop3A_174 = arith.addf %parallel_loop3A_170, %parallel_loop3A_173 : vector<16xf32>
          %parallel_loop3A_175 = arith.constant 128 : i32
          %parallel_loop3A_176 = arith.muli %parallel_loop3A_141, %parallel_loop3A_175 : i32
          %parallel_loop3A_177 = arith.constant 32 : i32
          %parallel_loop3A_178 = arith.addi %parallel_loop3A_176, %parallel_loop3A_177 : i32
          %parallel_loop3A_179 = arith.index_cast %parallel_loop3A_178 : i32 to index
          %parallel_loop3A_180 = tpu.vector_load %arg17[%parallel_loop3A_179] {strides = array<i32>} : memref<16384xf32, #tpu.memory_space<vmem>>, vector<16xf32>,
          tpu.vector_store %arg17[%parallel_loop3A_179], %parallel_loop3A_174 {strides = array<i32>} : memref<16384xf32, #tpu.memory_space<vmem>>, vector<16xf32>,
          %parallel_loop3A_181 = arith.index_cast %parallel_loop3A_141 : i32 to index
          %parallel_loop3A_182 = arith.constant 48 : index
          %parallel_loop3A_183 = tpu.vector_load %arg13[%parallel_loop3A_181, %parallel_loop3A_182] {strides = array<i32>} : memref<128x128xf32, #tpu.memory_space<vmem>>, vector<16xf32>,
          %parallel_loop3A_184 = arith.index_cast %parallel_loop3A_141 : i32 to index
          %parallel_loop3A_185 = arith.constant 48 : index
          %parallel_loop3A_186 = tpu.vector_load %arg15[%parallel_loop3A_184, %parallel_loop3A_185] {strides = array<i32>} : memref<128x128xf32, #tpu.memory_space<vmem>>, vector<16xf32>,
          %parallel_loop3A_187 = arith.addf %parallel_loop3A_183, %parallel_loop3A_186 : vector<16xf32>
          %parallel_loop3A_188 = arith.constant 128 : i32
          %parallel_loop3A_189 = arith.muli %parallel_loop3A_141, %parallel_loop3A_188 : i32
          %parallel_loop3A_190 = arith.constant 48 : i32
          %parallel_loop3A_191 = arith.addi %parallel_loop3A_189, %parallel_loop3A_190 : i32
          %parallel_loop3A_192 = arith.index_cast %parallel_loop3A_191 : i32 to index
          %parallel_loop3A_193 = tpu.vector_load %arg17[%parallel_loop3A_192] {strides = array<i32>} : memref<16384xf32, #tpu.memory_space<vmem>>, vector<16xf32>,
          tpu.vector_store %arg17[%parallel_loop3A_192], %parallel_loop3A_187 {strides = array<i32>} : memref<16384xf32, #tpu.memory_space<vmem>>, vector<16xf32>,
          %parallel_loop3A_194 = arith.index_cast %parallel_loop3A_141 : i32 to index
          %parallel_loop3A_195 = arith.constant 64 : index
          %parallel_loop3A_196 = tpu.vector_load %arg13[%parallel_loop3A_194, %parallel_loop3A_195] {strides = array<i32>} : memref<128x128xf32, #tpu.memory_space<vmem>>, vector<16xf32>,
          %parallel_loop3A_197 = arith.index_cast %parallel_loop3A_141 : i32 to index
          %parallel_loop3A_198 = arith.constant 64 : index
          %parallel_loop3A_199 = tpu.vector_load %arg15[%parallel_loop3A_197, %parallel_loop3A_198] {strides = array<i32>} : memref<128x128xf32, #tpu.memory_space<vmem>>, vector<16xf32>,
          %parallel_loop3A_200 = arith.addf %parallel_loop3A_196, %parallel_loop3A_199 : vector<16xf32>
          %parallel_loop3A_201 = arith.constant 128 : i32
          %parallel_loop3A_202 = arith.muli %parallel_loop3A_141, %parallel_loop3A_201 : i32
          %parallel_loop3A_203 = arith.constant 64 : i32
          %parallel_loop3A_204 = arith.addi %parallel_loop3A_202, %parallel_loop3A_203 : i32
          %parallel_loop3A_205 = arith.index_cast %parallel_loop3A_204 : i32 to index
          %parallel_loop3A_206 = tpu.vector_load %arg17[%parallel_loop3A_205] {strides = array<i32>} : memref<16384xf32, #tpu.memory_space<vmem>>, vector<16xf32>,
          tpu.vector_store %arg17[%parallel_loop3A_205], %parallel_loop3A_200 {strides = array<i32>} : memref<16384xf32, #tpu.memory_space<vmem>>, vector<16xf32>,
          %parallel_loop3A_207 = arith.index_cast %parallel_loop3A_141 : i32 to index
          %parallel_loop3A_208 = arith.constant 80 : index
          %parallel_loop3A_209 = tpu.vector_load %arg13[%parallel_loop3A_207, %parallel_loop3A_208] {strides = array<i32>} : memref<128x128xf32, #tpu.memory_space<vmem>>, vector<16xf32>,
          %parallel_loop3A_210 = arith.index_cast %parallel_loop3A_141 : i32 to index
          %parallel_loop3A_211 = arith.constant 80 : index
          %parallel_loop3A_212 = tpu.vector_load %arg15[%parallel_loop3A_210, %parallel_loop3A_211] {strides = array<i32>} : memref<128x128xf32, #tpu.memory_space<vmem>>, vector<16xf32>,
          %parallel_loop3A_213 = arith.addf %parallel_loop3A_209, %parallel_loop3A_212 : vector<16xf32>
          %parallel_loop3A_214 = arith.constant 128 : i32
          %parallel_loop3A_215 = arith.muli %parallel_loop3A_141, %parallel_loop3A_214 : i32
          %parallel_loop3A_216 = arith.constant 80 : i32
          %parallel_loop3A_217 = arith.addi %parallel_loop3A_215, %parallel_loop3A_216 : i32
          %parallel_loop3A_218 = arith.index_cast %parallel_loop3A_217 : i32 to index
          %parallel_loop3A_219 = tpu.vector_load %arg17[%parallel_loop3A_218] {strides = array<i32>} : memref<16384xf32, #tpu.memory_space<vmem>>, vector<16xf32>,
          tpu.vector_store %arg17[%parallel_loop3A_218], %parallel_loop3A_213 {strides = array<i32>} : memref<16384xf32, #tpu.memory_space<vmem>>, vector<16xf32>,
          %parallel_loop3A_220 = arith.index_cast %parallel_loop3A_141 : i32 to index
          %parallel_loop3A_221 = arith.constant 96 : index
          %parallel_loop3A_222 = tpu.vector_load %arg13[%parallel_loop3A_220, %parallel_loop3A_221] {strides = array<i32>} : memref<128x128xf32, #tpu.memory_space<vmem>>, vector<16xf32>,
          %parallel_loop3A_223 = arith.index_cast %parallel_loop3A_141 : i32 to index
          %parallel_loop3A_224 = arith.constant 96 : index
          %parallel_loop3A_225 = tpu.vector_load %arg15[%parallel_loop3A_223, %parallel_loop3A_224] {strides = array<i32>} : memref<128x128xf32, #tpu.memory_space<vmem>>, vector<16xf32>,
          %parallel_loop3A_226 = arith.addf %parallel_loop3A_222, %parallel_loop3A_225 : vector<16xf32>
          %parallel_loop3A_227 = arith.constant 128 : i32
          %parallel_loop3A_228 = arith.muli %parallel_loop3A_141, %parallel_loop3A_227 : i32
          %parallel_loop3A_229 = arith.constant 96 : i32
          %parallel_loop3A_230 = arith.addi %parallel_loop3A_228, %parallel_loop3A_229 : i32
          %parallel_loop3A_231 = arith.index_cast %parallel_loop3A_230 : i32 to index
          %parallel_loop3A_232 = tpu.vector_load %arg17[%parallel_loop3A_231] {strides = array<i32>} : memref<16384xf32, #tpu.memory_space<vmem>>, vector<16xf32>,
          tpu.vector_store %arg17[%parallel_loop3A_231], %parallel_loop3A_226 {strides = array<i32>} : memref<16384xf32, #tpu.memory_space<vmem>>, vector<16xf32>,
          %parallel_loop3A_233 = arith.index_cast %parallel_loop3A_141 : i32 to index
          %parallel_loop3A_234 = arith.constant 112 : index
          %parallel_loop3A_235 = tpu.vector_load %arg13[%parallel_loop3A_233, %parallel_loop3A_234] {strides = array<i32>} : memref<128x128xf32, #tpu.memory_space<vmem>>, vector<16xf32>,
          %parallel_loop3A_236 = arith.index_cast %parallel_loop3A_141 : i32 to index
          %parallel_loop3A_237 = arith.constant 112 : index
          %parallel_loop3A_238 = tpu.vector_load %arg15[%parallel_loop3A_236, %parallel_loop3A_237] {strides = array<i32>} : memref<128x128xf32, #tpu.memory_space<vmem>>, vector<16xf32>,
          %parallel_loop3A_239 = arith.addf %parallel_loop3A_235, %parallel_loop3A_238 : vector<16xf32>
          %parallel_loop3A_240 = arith.constant 128 : i32
          %parallel_loop3A_241 = arith.muli %parallel_loop3A_141, %parallel_loop3A_240 : i32
          %parallel_loop3A_242 = arith.constant 112 : i32
          %parallel_loop3A_243 = arith.addi %parallel_loop3A_241, %parallel_loop3A_242 : i32
          %parallel_loop3A_244 = arith.index_cast %parallel_loop3A_243 : i32 to index
          %parallel_loop3A_245 = tpu.vector_load %arg17[%parallel_loop3A_244] {strides = array<i32>} : memref<16384xf32, #tpu.memory_space<vmem>>, vector<16xf32>,
          tpu.vector_store %arg17[%parallel_loop3A_244], %parallel_loop3A_239 {strides = array<i32>} : memref<16384xf32, #tpu.memory_space<vmem>>, vector<16xf32>,
        } {sc.loop_unroll_factor = 4 : i64, sc.parallel_access}
        %mul3A_127 = arith.constant 128 : i32
        %mul3A_128 = arith.muli %multiple_of3A, %mul3A_127 : i32
        %mul3A_129 = arith.constant 16384 : i32
        %mul3A_130 = arith.muli %add3A_103, %mul3A_129 : i32
        %add3A_131 = arith.addi %mul3A_128, %mul3A_130 : i32
        %multiple_of3A_132 = tpu.assume_multiple %add3A_131, 8 : i32
        %dma_start3A_133 = tpu.memref_slice %arg7[%multiple_of3A_132] : memref<12800000xf32, #tpu.memory_space<hbm>> -> memref<16384xf32, #tpu.memory_space<hbm>>
        %dma_start3A_134 = tpu.memref_slice %arg7[%multiple_of3A_132] : memref<12800000xf32, #tpu.memory_space<hbm>> -> memref<16384xf32, #tpu.memory_space<hbm>>
        tpu.enqueue_dma source(%arg17 : memref<16384xf32, #tpu.memory_space<vmem>>) target(%dma_start3A_134 : memref<16384xf32, #tpu.memory_space<hbm>>) target_semaphore(%arg22 : memref<!tpu.dma_semaphore, #tpu.memory_space<semaphore_mem>>)
        %add3A_135 = arith.constant 2 : i32
        %add3A_136 = arith.addi %add3A_103, %add3A_135 : i32
        %lt3A_137 = arith.cmpi slt, %add3A_136, %add3A_10 : i32
        %convert_element_type3A_138 = arith.extui %lt3A_137 : i1 to i32
        %cond3A_139 = arith.constant 0 : i32
        %cond3A_140 = arith.cmpi ne, %convert_element_type3A_138, %cond3A_139 : i32
        scf.if %cond3A_140 {
          %add3A_141 = arith.constant 2 : i32
          %add3A_142 = arith.addi %add3A_103, %add3A_141 : i32
          %mul3A_143 = arith.constant 128 : i32
          %mul3A_144 = arith.muli %add3A_142, %mul3A_143 : i32
          %dma_start3A_145 = tpu.memref_slice %arg11[%mul3A_144] : memref<3200xi32, #tpu.memory_space<vmem>> -> memref<128xi32, #tpu.memory_space<vmem>>
          %dma_start3A_146 = arith.constant 0 : i32
          %dma_start3A_147 = arith.constant 0 : i32
          %dma_start3A_148 = tpu.memref_slice %arg2[%dma_start3A_146, %dma_start3A_147] : memref<2058x128xf32, #tpu.memory_space<hbm>> -> memref<2058x128xf32, #tpu.memory_space<hbm>>
          tpu.enqueue_indirect_dma source(%dma_start3A_148 : memref<2058x128xf32, #tpu.memory_space<hbm>>) target(%arg13 : memref<128x128xf32, #tpu.memory_space<vmem>>) offsets(%dma_start3A_145 : memref<128xi32, #tpu.memory_space<vmem>>) semaphore(%arg20 : memref<!tpu.dma_semaphore, #tpu.memory_space<semaphore_mem>>)
          %mul3A_149 = arith.constant 128 : i32
          %mul3A_150 = arith.muli %add3A_142, %mul3A_149 : i32
          %dma_start3A_151 = tpu.memref_slice %arg9[%mul3A_150] : memref<3200xi32, #tpu.memory_space<vmem>> -> memref<128xi32, #tpu.memory_space<vmem>>
          %dma_start3A_152 = arith.constant 0 : i32
          %dma_start3A_153 = arith.constant 0 : i32
          %dma_start3A_154 = tpu.memref_slice %arg3[%dma_start3A_152, %dma_start3A_153] : memref<10030x128xf32, #tpu.memory_space<hbm>> -> memref<10030x128xf32, #tpu.memory_space<hbm>>
          tpu.enqueue_indirect_dma source(%dma_start3A_154 : memref<10030x128xf32, #tpu.memory_space<hbm>>) target(%arg15 : memref<128x128xf32, #tpu.memory_space<vmem>>) offsets(%dma_start3A_151 : memref<128xi32, #tpu.memory_space<vmem>>) semaphore(%arg20 : memref<!tpu.dma_semaphore, #tpu.memory_space<semaphore_mem>>)
        } else {
        }
      } else {
      }
    }
    %scan3A_78 = arith.constant 13 : i32
    %dma_wait3A_79 = arith.constant 0 : i32
    %dma_wait3A_80 = tpu.memref_slice %arg7[%dma_wait3A_79] : memref<12800000xf32, #tpu.memory_space<hbm>> -> memref<16384xf32, #tpu.memory_space<hbm>>
    %dma_wait3A_81 = arith.constant 0 : i32
    %dma_wait3A_82 = tpu.memref_slice %arg7[%dma_wait3A_81] : memref<12800000xf32, #tpu.memory_space<hbm>> -> memref<16384xf32, #tpu.memory_space<hbm>>
    tpu.wait_dma2 semaphore(%arg21 : memref<!tpu.dma_semaphore, #tpu.memory_space<semaphore_mem>>) src(%arg16 : memref<16384xf32, #tpu.memory_space<vmem>>) dst(%dma_wait3A_82 : memref<16384xf32, #tpu.memory_space<hbm>>)
    %dma_wait3A_83 = arith.constant 0 : i32
    %dma_wait3A_84 = tpu.memref_slice %arg7[%dma_wait3A_83] : memref<12800000xf32, #tpu.memory_space<hbm>> -> memref<16384xf32, #tpu.memory_space<hbm>>
    %dma_wait3A_85 = arith.constant 0 : i32
    %dma_wait3A_86 = tpu.memref_slice %arg7[%dma_wait3A_85] : memref<12800000xf32, #tpu.memory_space<hbm>> -> memref<16384xf32, #tpu.memory_space<hbm>>
    tpu.wait_dma2 semaphore(%arg22 : memref<!tpu.dma_semaphore, #tpu.memory_space<semaphore_mem>>) src(%arg17 : memref<16384xf32, #tpu.memory_space<vmem>>) dst(%dma_wait3A_86 : memref<16384xf32, #tpu.memory_space<hbm>>)
    %not3A = arith.constant true
    %not3A_87 = arith.xori %lt3A_7, %not3A : i1
    %convert_element_type3A_88 = arith.extui %not3A_87 : i1 to i32
    %cond3A_89 = arith.constant 0 : i32
    %cond3A_90 = arith.cmpi ne, %convert_element_type3A_88, %cond3A_89 : i32
    scf.if %cond3A_90 {
      %dma_start3A_91 = arith.constant 0 : i32
      %dma_start3A_92 = arith.constant 0 : i32
      %dma_start3A_93 = tpu.memref_slice %arg12[%dma_start3A_91, %dma_start3A_92] : memref<128x128xf32, #tpu.memory_space<vmem>> -> memref<48x128xf32, #tpu.memory_space<vmem>>
      %dma_start3A_94 = arith.constant 3072 : i32
      %dma_start3A_95 = tpu.memref_slice %arg11[%dma_start3A_94] : memref<3200xi32, #tpu.memory_space<vmem>> -> memref<48xi32, #tpu.memory_space<vmem>>
      %dma_start3A_96 = arith.constant 0 : i32
      %dma_start3A_97 = arith.constant 0 : i32
      %dma_start3A_98 = tpu.memref_slice %arg2[%dma_start3A_96, %dma_start3A_97] : memref<2058x128xf32, #tpu.memory_space<hbm>> -> memref<2058x128xf32, #tpu.memory_space<hbm>>
      tpu.enqueue_indirect_dma source(%dma_start3A_98 : memref<2058x128xf32, #tpu.memory_space<hbm>>) target(%dma_start3A_93 : memref<48x128xf32, #tpu.memory_space<vmem>>) offsets(%dma_start3A_95 : memref<48xi32, #tpu.memory_space<vmem>>) semaphore(%arg19 : memref<!tpu.dma_semaphore, #tpu.memory_space<semaphore_mem>>)
      %dma_start3A_99 = arith.constant 0 : i32
      %dma_start3A_100 = arith.constant 0 : i32
      %dma_start3A_101 = tpu.memref_slice %arg14[%dma_start3A_99, %dma_start3A_100] : memref<128x128xf32, #tpu.memory_space<vmem>> -> memref<48x128xf32, #tpu.memory_space<vmem>>
      %dma_start3A_102 = arith.constant 3072 : i32
      %dma_start3A_103 = tpu.memref_slice %arg9[%dma_start3A_102] : memref<3200xi32, #tpu.memory_space<vmem>> -> memref<48xi32, #tpu.memory_space<vmem>>
      %dma_start3A_104 = arith.constant 0 : i32
      %dma_start3A_105 = arith.constant 0 : i32
      %dma_start3A_106 = tpu.memref_slice %arg3[%dma_start3A_104, %dma_start3A_105] : memref<10030x128xf32, #tpu.memory_space<hbm>> -> memref<10030x128xf32, #tpu.memory_space<hbm>>
      tpu.enqueue_indirect_dma source(%dma_start3A_106 : memref<10030x128xf32, #tpu.memory_space<hbm>>) target(%dma_start3A_101 : memref<48x128xf32, #tpu.memory_space<vmem>>) offsets(%dma_start3A_103 : memref<48xi32, #tpu.memory_space<vmem>>) semaphore(%arg19 : memref<!tpu.dma_semaphore, #tpu.memory_space<semaphore_mem>>)
      %dma_wait3A_107 = arith.constant 0 : i32
      %dma_wait3A_108 = arith.constant 0 : i32
      %dma_wait3A_109 = tpu.memref_slice %arg12[%dma_wait3A_107, %dma_wait3A_108] : memref<128x128xf32, #tpu.memory_space<vmem>> -> memref<48x128xf32, #tpu.memory_space<vmem>>
      %dma_wait3A_110 = arith.constant 3072 : i32
      %dma_wait3A_111 = tpu.memref_slice %arg11[%dma_wait3A_110] : memref<3200xi32, #tpu.memory_space<vmem>> -> memref<48xi32, #tpu.memory_space<vmem>>
      %dma_wait3A_112 = arith.constant 0 : i32
      %dma_wait3A_113 = arith.constant 0 : i32
      %dma_wait3A_114 = tpu.memref_slice %arg2[%dma_wait3A_112, %dma_wait3A_113] : memref<2058x128xf32, #tpu.memory_space<hbm>> -> memref<2058x128xf32, #tpu.memory_space<hbm>>
      tpu.wait_indirect_dma semaphore(%arg19 : memref<!tpu.dma_semaphore, #tpu.memory_space<semaphore_mem>>) src(%dma_wait3A_114 : memref<2058x128xf32, #tpu.memory_space<hbm>>) dst(%dma_wait3A_109 : memref<48x128xf32, #tpu.memory_space<vmem>>)
      %dma_wait3A_115 = arith.constant 0 : i32
      %dma_wait3A_116 = arith.constant 0 : i32
      %dma_wait3A_117 = tpu.memref_slice %arg14[%dma_wait3A_115, %dma_wait3A_116] : memref<128x128xf32, #tpu.memory_space<vmem>> -> memref<48x128xf32, #tpu.memory_space<vmem>>
      %dma_wait3A_118 = arith.constant 3072 : i32
      %dma_wait3A_119 = tpu.memref_slice %arg9[%dma_wait3A_118] : memref<3200xi32, #tpu.memory_space<vmem>> -> memref<48xi32, #tpu.memory_space<vmem>>
      %dma_wait3A_120 = arith.constant 0 : i32
      %dma_wait3A_121 = arith.constant 0 : i32
      %dma_wait3A_122 = tpu.memref_slice %arg3[%dma_wait3A_120, %dma_wait3A_121] : memref<10030x128xf32, #tpu.memory_space<hbm>> -> memref<10030x128xf32, #tpu.memory_space<hbm>>
      tpu.wait_indirect_dma semaphore(%arg19 : memref<!tpu.dma_semaphore, #tpu.memory_space<semaphore_mem>>) src(%dma_wait3A_122 : memref<10030x128xf32, #tpu.memory_space<hbm>>) dst(%dma_wait3A_117 : memref<48x128xf32, #tpu.memory_space<vmem>>)
      %parallel_loop3A_123 = arith.constant 0 : i32
      %parallel_loop3A_124 = arith.constant 48 : i32
      %parallel_loop3A_125 = arith.constant 1 : i32
      scf.for %parallel_loop3A_131 = %parallel_loop3A_123 to %parallel_loop3A_124 step %parallel_loop3A_125  : i32 {
        %parallel_loop3A_132 = arith.index_cast %parallel_loop3A_131 : i32 to index
        %parallel_loop3A_133 = arith.constant 0 : index
        %parallel_loop3A_134 = tpu.vector_load %arg12[%parallel_loop3A_132, %parallel_loop3A_133] {strides = array<i32>} : memref<128x128xf32, #tpu.memory_space<vmem>>, vector<16xf32>,
        %parallel_loop3A_135 = arith.index_cast %parallel_loop3A_131 : i32 to index
        %parallel_loop3A_136 = arith.constant 0 : index
        %parallel_loop3A_137 = tpu.vector_load %arg14[%parallel_loop3A_135, %parallel_loop3A_136] {strides = array<i32>} : memref<128x128xf32, #tpu.memory_space<vmem>>, vector<16xf32>,
        %parallel_loop3A_138 = arith.addf %parallel_loop3A_134, %parallel_loop3A_137 : vector<16xf32>
        %parallel_loop3A_139 = arith.constant 128 : i32
        %parallel_loop3A_140 = arith.muli %parallel_loop3A_131, %parallel_loop3A_139 : i32
        %parallel_loop3A_141 = arith.constant 0 : i32
        %parallel_loop3A_142 = arith.addi %parallel_loop3A_140, %parallel_loop3A_141 : i32
        %parallel_loop3A_143 = arith.index_cast %parallel_loop3A_142 : i32 to index
        %parallel_loop3A_144 = tpu.vector_load %arg16[%parallel_loop3A_143] {strides = array<i32>} : memref<16384xf32, #tpu.memory_space<vmem>>, vector<16xf32>,
        tpu.vector_store %arg16[%parallel_loop3A_143], %parallel_loop3A_138 {strides = array<i32>} : memref<16384xf32, #tpu.memory_space<vmem>>, vector<16xf32>,
        %parallel_loop3A_145 = arith.index_cast %parallel_loop3A_131 : i32 to index
        %parallel_loop3A_146 = arith.constant 16 : index
        %parallel_loop3A_147 = tpu.vector_load %arg12[%parallel_loop3A_145, %parallel_loop3A_146] {strides = array<i32>} : memref<128x128xf32, #tpu.memory_space<vmem>>, vector<16xf32>,
        %parallel_loop3A_148 = arith.index_cast %parallel_loop3A_131 : i32 to index
        %parallel_loop3A_149 = arith.constant 16 : index
        %parallel_loop3A_150 = tpu.vector_load %arg14[%parallel_loop3A_148, %parallel_loop3A_149] {strides = array<i32>} : memref<128x128xf32, #tpu.memory_space<vmem>>, vector<16xf32>,
        %parallel_loop3A_151 = arith.addf %parallel_loop3A_147, %parallel_loop3A_150 : vector<16xf32>
        %parallel_loop3A_152 = arith.constant 128 : i32
        %parallel_loop3A_153 = arith.muli %parallel_loop3A_131, %parallel_loop3A_152 : i32
        %parallel_loop3A_154 = arith.constant 16 : i32
        %parallel_loop3A_155 = arith.addi %parallel_loop3A_153, %parallel_loop3A_154 : i32
        %parallel_loop3A_156 = arith.index_cast %parallel_loop3A_155 : i32 to index
        %parallel_loop3A_157 = tpu.vector_load %arg16[%parallel_loop3A_156] {strides = array<i32>} : memref<16384xf32, #tpu.memory_space<vmem>>, vector<16xf32>,
        tpu.vector_store %arg16[%parallel_loop3A_156], %parallel_loop3A_151 {strides = array<i32>} : memref<16384xf32, #tpu.memory_space<vmem>>, vector<16xf32>,
        %parallel_loop3A_158 = arith.index_cast %parallel_loop3A_131 : i32 to index
        %parallel_loop3A_159 = arith.constant 32 : index
        %parallel_loop3A_160 = tpu.vector_load %arg12[%parallel_loop3A_158, %parallel_loop3A_159] {strides = array<i32>} : memref<128x128xf32, #tpu.memory_space<vmem>>, vector<16xf32>,
        %parallel_loop3A_161 = arith.index_cast %parallel_loop3A_131 : i32 to index
        %parallel_loop3A_162 = arith.constant 32 : index
        %parallel_loop3A_163 = tpu.vector_load %arg14[%parallel_loop3A_161, %parallel_loop3A_162] {strides = array<i32>} : memref<128x128xf32, #tpu.memory_space<vmem>>, vector<16xf32>,
        %parallel_loop3A_164 = arith.addf %parallel_loop3A_160, %parallel_loop3A_163 : vector<16xf32>
        %parallel_loop3A_165 = arith.constant 128 : i32
        %parallel_loop3A_166 = arith.muli %parallel_loop3A_131, %parallel_loop3A_165 : i32
        %parallel_loop3A_167 = arith.constant 32 : i32
        %parallel_loop3A_168 = arith.addi %parallel_loop3A_166, %parallel_loop3A_167 : i32
        %parallel_loop3A_169 = arith.index_cast %parallel_loop3A_168 : i32 to index
        %parallel_loop3A_170 = tpu.vector_load %arg16[%parallel_loop3A_169] {strides = array<i32>} : memref<16384xf32, #tpu.memory_space<vmem>>, vector<16xf32>,
        tpu.vector_store %arg16[%parallel_loop3A_169], %parallel_loop3A_164 {strides = array<i32>} : memref<16384xf32, #tpu.memory_space<vmem>>, vector<16xf32>,
        %parallel_loop3A_171 = arith.index_cast %parallel_loop3A_131 : i32 to index
        %parallel_loop3A_172 = arith.constant 48 : index
        %parallel_loop3A_173 = tpu.vector_load %arg12[%parallel_loop3A_171, %parallel_loop3A_172] {strides = array<i32>} : memref<128x128xf32, #tpu.memory_space<vmem>>, vector<16xf32>,
        %parallel_loop3A_174 = arith.index_cast %parallel_loop3A_131 : i32 to index
        %parallel_loop3A_175 = arith.constant 48 : index
        %parallel_loop3A_176 = tpu.vector_load %arg14[%parallel_loop3A_174, %parallel_loop3A_175] {strides = array<i32>} : memref<128x128xf32, #tpu.memory_space<vmem>>, vector<16xf32>,
        %parallel_loop3A_177 = arith.addf %parallel_loop3A_173, %parallel_loop3A_176 : vector<16xf32>
        %parallel_loop3A_178 = arith.constant 128 : i32
        %parallel_loop3A_179 = arith.muli %parallel_loop3A_131, %parallel_loop3A_178 : i32
        %parallel_loop3A_180 = arith.constant 48 : i32
        %parallel_loop3A_181 = arith.addi %parallel_loop3A_179, %parallel_loop3A_180 : i32
        %parallel_loop3A_182 = arith.index_cast %parallel_loop3A_181 : i32 to index
        %parallel_loop3A_183 = tpu.vector_load %arg16[%parallel_loop3A_182] {strides = array<i32>} : memref<16384xf32, #tpu.memory_space<vmem>>, vector<16xf32>,
        tpu.vector_store %arg16[%parallel_loop3A_182], %parallel_loop3A_177 {strides = array<i32>} : memref<16384xf32, #tpu.memory_space<vmem>>, vector<16xf32>,
        %parallel_loop3A_184 = arith.index_cast %parallel_loop3A_131 : i32 to index
        %parallel_loop3A_185 = arith.constant 64 : index
        %parallel_loop3A_186 = tpu.vector_load %arg12[%parallel_loop3A_184, %parallel_loop3A_185] {strides = array<i32>} : memref<128x128xf32, #tpu.memory_space<vmem>>, vector<16xf32>,
        %parallel_loop3A_187 = arith.index_cast %parallel_loop3A_131 : i32 to index
        %parallel_loop3A_188 = arith.constant 64 : index
        %parallel_loop3A_189 = tpu.vector_load %arg14[%parallel_loop3A_187, %parallel_loop3A_188] {strides = array<i32>} : memref<128x128xf32, #tpu.memory_space<vmem>>, vector<16xf32>,
        %parallel_loop3A_190 = arith.addf %parallel_loop3A_186, %parallel_loop3A_189 : vector<16xf32>
        %parallel_loop3A_191 = arith.constant 128 : i32
        %parallel_loop3A_192 = arith.muli %parallel_loop3A_131, %parallel_loop3A_191 : i32
        %parallel_loop3A_193 = arith.constant 64 : i32
        %parallel_loop3A_194 = arith.addi %parallel_loop3A_192, %parallel_loop3A_193 : i32
        %parallel_loop3A_195 = arith.index_cast %parallel_loop3A_194 : i32 to index
        %parallel_loop3A_196 = tpu.vector_load %arg16[%parallel_loop3A_195] {strides = array<i32>} : memref<16384xf32, #tpu.memory_space<vmem>>, vector<16xf32>,
        tpu.vector_store %arg16[%parallel_loop3A_195], %parallel_loop3A_190 {strides = array<i32>} : memref<16384xf32, #tpu.memory_space<vmem>>, vector<16xf32>,
        %parallel_loop3A_197 = arith.index_cast %parallel_loop3A_131 : i32 to index
        %parallel_loop3A_198 = arith.constant 80 : index
        %parallel_loop3A_199 = tpu.vector_load %arg12[%parallel_loop3A_197, %parallel_loop3A_198] {strides = array<i32>} : memref<128x128xf32, #tpu.memory_space<vmem>>, vector<16xf32>,
        %parallel_loop3A_200 = arith.index_cast %parallel_loop3A_131 : i32 to index
        %parallel_loop3A_201 = arith.constant 80 : index
        %parallel_loop3A_202 = tpu.vector_load %arg14[%parallel_loop3A_200, %parallel_loop3A_201] {strides = array<i32>} : memref<128x128xf32, #tpu.memory_space<vmem>>, vector<16xf32>,
        %parallel_loop3A_203 = arith.addf %parallel_loop3A_199, %parallel_loop3A_202 : vector<16xf32>
        %parallel_loop3A_204 = arith.constant 128 : i32
        %parallel_loop3A_205 = arith.muli %parallel_loop3A_131, %parallel_loop3A_204 : i32
        %parallel_loop3A_206 = arith.constant 80 : i32
        %parallel_loop3A_207 = arith.addi %parallel_loop3A_205, %parallel_loop3A_206 : i32
        %parallel_loop3A_208 = arith.index_cast %parallel_loop3A_207 : i32 to index
        %parallel_loop3A_209 = tpu.vector_load %arg16[%parallel_loop3A_208] {strides = array<i32>} : memref<16384xf32, #tpu.memory_space<vmem>>, vector<16xf32>,
        tpu.vector_store %arg16[%parallel_loop3A_208], %parallel_loop3A_203 {strides = array<i32>} : memref<16384xf32, #tpu.memory_space<vmem>>, vector<16xf32>,
        %parallel_loop3A_210 = arith.index_cast %parallel_loop3A_131 : i32 to index
        %parallel_loop3A_211 = arith.constant 96 : index
        %parallel_loop3A_212 = tpu.vector_load %arg12[%parallel_loop3A_210, %parallel_loop3A_211] {strides = array<i32>} : memref<128x128xf32, #tpu.memory_space<vmem>>, vector<16xf32>,
        %parallel_loop3A_213 = arith.index_cast %parallel_loop3A_131 : i32 to index
        %parallel_loop3A_214 = arith.constant 96 : index
        %parallel_loop3A_215 = tpu.vector_load %arg14[%parallel_loop3A_213, %parallel_loop3A_214] {strides = array<i32>} : memref<128x128xf32, #tpu.memory_space<vmem>>, vector<16xf32>,
        %parallel_loop3A_216 = arith.addf %parallel_loop3A_212, %parallel_loop3A_215 : vector<16xf32>
        %parallel_loop3A_217 = arith.constant 128 : i32
        %parallel_loop3A_218 = arith.muli %parallel_loop3A_131, %parallel_loop3A_217 : i32
        %parallel_loop3A_219 = arith.constant 96 : i32
        %parallel_loop3A_220 = arith.addi %parallel_loop3A_218, %parallel_loop3A_219 : i32
        %parallel_loop3A_221 = arith.index_cast %parallel_loop3A_220 : i32 to index
        %parallel_loop3A_222 = tpu.vector_load %arg16[%parallel_loop3A_221] {strides = array<i32>} : memref<16384xf32, #tpu.memory_space<vmem>>, vector<16xf32>,
        tpu.vector_store %arg16[%parallel_loop3A_221], %parallel_loop3A_216 {strides = array<i32>} : memref<16384xf32, #tpu.memory_space<vmem>>, vector<16xf32>,
        %parallel_loop3A_223 = arith.index_cast %parallel_loop3A_131 : i32 to index
        %parallel_loop3A_224 = arith.constant 112 : index
        %parallel_loop3A_225 = tpu.vector_load %arg12[%parallel_loop3A_223, %parallel_loop3A_224] {strides = array<i32>} : memref<128x128xf32, #tpu.memory_space<vmem>>, vector<16xf32>,
        %parallel_loop3A_226 = arith.index_cast %parallel_loop3A_131 : i32 to index
        %parallel_loop3A_227 = arith.constant 112 : index
        %parallel_loop3A_228 = tpu.vector_load %arg14[%parallel_loop3A_226, %parallel_loop3A_227] {strides = array<i32>} : memref<128x128xf32, #tpu.memory_space<vmem>>, vector<16xf32>,
        %parallel_loop3A_229 = arith.addf %parallel_loop3A_225, %parallel_loop3A_228 : vector<16xf32>
        %parallel_loop3A_230 = arith.constant 128 : i32
        %parallel_loop3A_231 = arith.muli %parallel_loop3A_131, %parallel_loop3A_230 : i32
        %parallel_loop3A_232 = arith.constant 112 : i32
        %parallel_loop3A_233 = arith.addi %parallel_loop3A_231, %parallel_loop3A_232 : i32
        %parallel_loop3A_234 = arith.index_cast %parallel_loop3A_233 : i32 to index
        %parallel_loop3A_235 = tpu.vector_load %arg16[%parallel_loop3A_234] {strides = array<i32>} : memref<16384xf32, #tpu.memory_space<vmem>>, vector<16xf32>,
        tpu.vector_store %arg16[%parallel_loop3A_234], %parallel_loop3A_229 {strides = array<i32>} : memref<16384xf32, #tpu.memory_space<vmem>>, vector<16xf32>,
      } {sc.loop_unroll_factor = 4 : i64, sc.parallel_access}
      %mul3A_126 = arith.constant 128 : i32
      %mul3A_127 = arith.muli %multiple_of3A, %mul3A_126 : i32
      %add3A_128 = arith.constant 393216 : i32
      %add3A_129 = arith.addi %mul3A_127, %add3A_128 : i32
      %multiple_of3A_130 = tpu.assume_multiple %add3A_129, 8 : i32
      "tpu.region"() ({
        %run_scoped3A = tpu.sem_alloc : memref<!tpu.dma_semaphore, #tpu.memory_space<semaphore_mem>>
        %dma_start3A_131 = arith.constant 0 : i32
        %dma_start3A_132 = tpu.memref_slice %arg16[%dma_start3A_131] : memref<16384xf32, #tpu.memory_space<vmem>> -> memref<6144xf32, #tpu.memory_space<vmem>>
        %dma_start3A_133 = tpu.memref_slice %arg7[%multiple_of3A_130] : memref<12800000xf32, #tpu.memory_space<hbm>> -> memref<6144xf32, #tpu.memory_space<hbm>>
        %dma_start3A_134 = tpu.memref_slice %arg7[%multiple_of3A_130] : memref<12800000xf32, #tpu.memory_space<hbm>> -> memref<6144xf32, #tpu.memory_space<hbm>>
        %dma_start3A_135 = arith.constant 0 : i32
        %dma_start3A_136 = tpu.memref_slice %arg16[%dma_start3A_135] : memref<16384xf32, #tpu.memory_space<vmem>> -> memref<6144xf32, #tpu.memory_space<vmem>>
        tpu.enqueue_dma source(%dma_start3A_136 : memref<6144xf32, #tpu.memory_space<vmem>>) target(%dma_start3A_134 : memref<6144xf32, #tpu.memory_space<hbm>>) target_semaphore(%run_scoped3A : memref<!tpu.dma_semaphore, #tpu.memory_space<semaphore_mem>>)
        %dma_wait3A_137 = arith.constant 0 : i32
        %dma_wait3A_138 = tpu.memref_slice %arg16[%dma_wait3A_137] : memref<16384xf32, #tpu.memory_space<vmem>> -> memref<6144xf32, #tpu.memory_space<vmem>>
        %dma_wait3A_139 = tpu.memref_slice %arg7[%multiple_of3A_130] : memref<12800000xf32, #tpu.memory_space<hbm>> -> memref<6144xf32, #tpu.memory_space<hbm>>
        %dma_wait3A_140 = tpu.memref_slice %arg7[%multiple_of3A_130] : memref<12800000xf32, #tpu.memory_space<hbm>> -> memref<6144xf32, #tpu.memory_space<hbm>>
        %dma_wait3A_141 = arith.constant 0 : i32
        %dma_wait3A_142 = tpu.memref_slice %arg16[%dma_wait3A_141] : memref<16384xf32, #tpu.memory_space<vmem>> -> memref<6144xf32, #tpu.memory_space<vmem>>
        tpu.wait_dma2 semaphore(%run_scoped3A : memref<!tpu.dma_semaphore, #tpu.memory_space<semaphore_mem>>) src(%dma_wait3A_142 : memref<6144xf32, #tpu.memory_space<vmem>>) dst(%dma_wait3A_140 : memref<6144xf32, #tpu.memory_space<hbm>>)
        tpu.yield
      }) : () -> ()
    } else {
    }
    return
  }
}

module attributes {stable_mosaic.version = 14 : i64} {
  func.func @_td_fuse_body(%arg0: memref<98x128xf32, #tpu.memory_space<vmem>>, %arg1: memref<21x128xf32, #tpu.memory_space<vmem>>, %arg2: memref<98x21x128xf32, #tpu.memory_space<vmem>>) attributes {dimension_semantics = [], scalar_prefetch = 0 : i64, scratch_operands = 0 : i64, tpu.core_type = #tpu.core_type<tc>} {
    %get3A = arith.constant 0 : index
    %get3A_0 = arith.constant 0 : index
    %get3A_1 = vector.load %arg0[%get3A, %get3A_0] : memref<98x128xf32, #tpu.memory_space<vmem>>, vector<98x128xf32>
    %broadcast_in_dim3A = vector.shape_cast %get3A_1 : vector<98x128xf32> to vector<98x1x128xf32>
    %get3A_2 = arith.constant 0 : index
    %get3A_3 = arith.constant 0 : index
    %get3A_4 = vector.load %arg1[%get3A_2, %get3A_3] : memref<21x128xf32, #tpu.memory_space<vmem>>, vector<21x128xf32>
    %broadcast_in_dim3A_5 = vector.shape_cast %get3A_4 : vector<21x128xf32> to vector<1x21x128xf32>
    %add3A = vector.broadcast %broadcast_in_dim3A : vector<98x1x128xf32> to vector<98x21x128xf32>
    %add3A_6 = vector.broadcast %broadcast_in_dim3A_5 : vector<1x21x128xf32> to vector<98x21x128xf32>
    %add3A_7 = arith.addf %add3A, %add3A_6 : vector<98x21x128xf32>
    %swap3A = arith.constant 0 : index
    %swap3A_8 = arith.constant 0 : index
    %swap3A_9 = arith.constant 0 : index
    %swap3A_10 = vector.load %arg2[%swap3A, %swap3A_8, %swap3A_9] : memref<98x21x128xf32, #tpu.memory_space<vmem>>, vector<98x21x128xf32>
    tpu.vector_store %arg2[%swap3A, %swap3A_8, %swap3A_9], %add3A_7 {strides = array<i32>} : memref<98x21x128xf32, #tpu.memory_space<vmem>>, vector<98x21x128xf32>,
    return
  }
}

</mosaic_0001>

<sc_bundles>
// kernel: _run.4.cloned.1.call-start
scs
__scs_entry_jumppad:
0x0: {  	(pc) =	sbr.rel $0x88, $3  }
0x1: {  	(tag) =	ssettag $0x0;
	lr =	simm.s32 $0x1  }
0x2: {  	[smem:$0x3F9B] =	sst lr;
	_ =	strace $0xD0000000  }
0x3: {  	_ = 	snop  }
0x4: {  	_ = 	snop  }
0x5: {  	_ = 	snop  }
0x6: {  	_ = 	snop  }
0x7: {  	_ = 	snop  }
__scs_overlays_trampoline_lowered:
0x8: {  	[smem:$0x3FAA] =	sst s0  }
0x9: {  	[smem:$0x3FAB] =	sst s1  }
0xa: {  	[smem:$0x3FAC] =	sst s2  }
0xb: {  	[smem:$0x3FAD] =	sst s3  }
0xc: {  	[smem:$0x3FAE] =	sst s4  }
0xd: {  	[smem:$0x3FAF] =	sst s5  }
0xe: {  	[smem:$0x3FB0] =	sst s6  }
0xf: {  	[smem:$0x3FB1] =	sst s7  }
0x10: {  	[smem:$0x3FB2] =	sst s8  }
0x11: {  	[smem:$0x3FB3] =	sst s9;
	s0 =	simm.s32 @!p0 $0x0  }
0x12: {  	s1 =	sld [smem:$0x3F99];
	s0 =	simm.s32 @p0 $0x1  }
0x13: {  	[smem:$0x3FB4] =	sst s0;
	s0 =	simm.s32 @!p1 $0x0  }
0x14: {  	s2 =	sld [smem:$0x3F98];
	s0 =	simm.s32 @p1 $0x1  }
0x15: {  	[smem:$0x3FB5] =	sst s0;
	s0 =	simm.s32 @!p2 $0x0  }
0x16: {  	s3 =	sld [smem:$0x3FDB];
	s0 =	simm.s32 @p2 $0x1  }
0x17: {  	s4 =	simm.s32 $0x1BF5;
	[smem:$0x3FB7] =	sst s0  }
0x18: {  	s0 =	sld [smem:$0x3F9A];
	_ =	swait.ge [sflag:s4], $0x0  }
0x19: {  	s7 =	sld [smem:$0x3F9B]  }
0x1a: {  	s8 =	sadd.s32 $0xFFFFE003, lr  }
0x1b: {  	s9 =	sadd.s32 $0xFFFFFEF7, lr;
	s5 =	simm.s32 $0xFFFFFFFF;
	p2 =	slt.u32 s8, $0xFFFFF086  }
0x1c: {  	p1 =	slt.u32 s9, $0xF7A;
	s5 =	simm.s32 @!p2 $0x0  }
0x1d: {  	s5 =	simm.s32 @p1 $0x1;
	p0 =	seq.s32 s7, s2  }
0x1e: {  	s7 =	smul.u32 @!p0 $0xF7A, s2;
	p2 =	seq.s32 @!p0 s5, $0x0  }
0x1f: {  	s9 =	smul.u32 $0xF7A, s1;
	s8 =	simm.s32 @!p0 $0x1BF5;
	p2 =	por !p2, p0  }
0x20: {  	[sflag:s8] =	ssyncset.s32 @!p0 $0xFFFFF086;
	s6 =	sadd.s32 @!p0 s3, s7;
	s7 =	simm.s32 @!p0 $0x108  }
0x21: {  	s3 =	sadd.s32 s3, s9;
	s6 =	sadd.s32 @!p0 $0x88, s6;
	s7 =	simm.s32 @p2 $0x1082  }
0x22: {  	[simem:s7], [sflag:s8] =	dma.local @!p0 [hbm:s6], $0xF7A  }
0x23: {  	s9 =	sor.u32 $0xD0000000, s2;
	s6 =	simm.s32 $0x108;
	_ =	swait.ge @!p0 [sflag:s8], $0x0  }
0x24: {  	s3 =	sadd.s32 $0x88, s3;
	s6 =	simm.s32 @!p1 $0x1082;
	[sflag:s4] =	ssyncset.s32 $0xFFFFF086  }
0x25: {  	[simem:s6], [sflag:s4] =	dma.local [hbm:s3], $0xF7A  }
0x26: {  	[smem:$0x3F9B] =	sst s1;
	(tag) =	ssettag s2;
	_ =	strace s9  }
0x27: {  	s1 =	sld [smem:$0x3FAB]  }
0x28: {  	s2 =	sld [smem:$0x3FAC]  }
0x29: {  	s4 =	sld [smem:$0x3FAE]  }
0x2a: {  	p0 =	seq.s32 s5, $0x0;
	s5 =	sld [smem:$0x3FAF]  }
0x2b: {  	s6 =	sld [smem:$0x3FB0]  }
0x2c: {  	s7 =	sld [smem:$0x3FB1]  }
0x2d: {  	s3 =	simm.s32 $0x108;
	s8 =	sld [smem:$0x3FB2]  }
0x2e: {  	s3 =	simm.s32 @!p0 $0x1082;
	s9 =	sld [smem:$0x3FB3]  }
0x2f: {  	lr =	sadd.s32 s0, s3;
	s0 =	sld [smem:$0x3FAA]  }
0x30: {  	s3 =	sld [smem:$0x3FAD]  }
0x31: {  	[smem:$0x3FB6] =	sst s10  }
0x32: {  	s10 =	sld [smem:$0x3FB4];
	_ =	sdelay $0x3  }
0x33: {  	p0 =	seq.s32 s10, $0x1;
	s10 =	sld [smem:$0x3FB6];
	_ =	sdelay $0x3  }
0x34: {  	[smem:$0x3FB6] =	sst s10  }
0x35: {  	s10 =	sld [smem:$0x3FB5];
	_ =	sdelay $0x3  }
0x36: {  	p1 =	seq.s32 s10, $0x1;
	s10 =	sld [smem:$0x3FB6];
	_ =	sdelay $0x3  }
0x37: {  	[smem:$0x3FB6] =	sst s10  }
0x38: {  	s10 =	sld [smem:$0x3FB7]  }
0x39: {  	_ = 	snop;
	(pc) =	sbr.ind lr, $3  }
0x3a: {  	_ = 	snop  }
0x3b: {  	_ = 	snop  }
0x3c: {  	p2 =	seq.s32 s10, $0x1;
	s10 =	sld [smem:$0x3FB6]  }
0x3d: {  	_ =	shalt  }
0x3e: {  	_ =	shalt  }
0x3f: {  	_ =	shalt  }
0x40: {  	_ =	shalt  }
0x41: {  	_ =	shalt  }
0x42: {  	_ =	shalt  }
0x43: {  	_ =	shalt  }
0x44: {  	_ =	shalt  }
0x45: {  	_ =	shalt  }
0x46: {  	_ =	shalt  }
0x47: {  	_ =	shalt  }
0x48: {  	_ =	shalt  }
0x49: {  	_ =	shalt  }
0x4a: {  	_ =	shalt  }
0x4b: {  	_ =	shalt  }
0x4c: {  	_ =	shalt  }
0x4d: {  	_ =	shalt  }
0x4e: {  	_ =	shalt  }
0x4f: {  	_ =	shalt  }
0x50: {  	_ =	shalt  }
0x51: {  	_ =	shalt  }
0x52: {  	_ =	shalt  }
0x53: {  	_ =	shalt  }
0x54: {  	_ =	shalt  }
0x55: {  	_ =	shalt  }
0x56: {  	_ =	shalt  }
0x57: {  	_ =	shalt  }
0x58: {  	_ =	shalt  }
0x59: {  	_ =	shalt  }
0x5a: {  	_ =	shalt  }
0x5b: {  	_ =	shalt  }
0x5c: {  	_ =	shalt  }
0x5d: {  	_ =	shalt  }
0x5e: {  	_ =	shalt  }
0x5f: {  	_ =	shalt  }
0x60: {  	_ =	shalt  }
0x61: {  	_ =	shalt  }
0x62: {  	_ =	shalt  }
0x63: {  	_ =	shalt  }
0x64: {  	_ =	shalt  }
0x65: {  	_ =	shalt  }
0x66: {  	_ =	shalt  }
0x67: {  	_ =	shalt  }
0x68: {  	_ =	shalt  }
0x69: {  	_ =	shalt  }
0x6a: {  	_ =	shalt  }
0x6b: {  	_ =	shalt  }
0x6c: {  	_ =	shalt  }
0x6d: {  	_ =	shalt  }
0x6e: {  	_ =	shalt  }
0x6f: {  	_ =	shalt  }
0x70: {  	_ =	shalt  }
0x71: {  	_ =	shalt  }
0x72: {  	_ =	shalt  }
0x73: {  	_ =	shalt  }
0x74: {  	_ =	shalt  }
0x75: {  	_ =	shalt  }
0x76: {  	_ =	shalt  }
0x77: {  	_ =	shalt  }
0x78: {  	_ =	shalt  }
0x79: {  	_ =	shalt  }
0x7a: {  	_ =	shalt  }
0x7b: {  	_ =	shalt  }
0x7c: {  	_ =	shalt  }
0x7d: {  	_ =	shalt  }
0x7e: {  	_ =	shalt  }
0x7f: {  	_ =	shalt  }
0x80: {  	_ =	shalt  }
0x81: {  	_ =	shalt  }
0x82: {  	_ =	shalt  }
0x83: {  	_ =	shalt  }
0x84: {  	_ =	shalt  }
0x85: {  	_ =	shalt  }
0x86: {  	_ =	shalt  }
0x87: {  	_ =	shalt  }
.Lfunc_end0:
.L_simem_size_0:
called_computation_lowered:
.L_overlay_start_0:
0x88: {  	s2 =	sld [smem:$0x3FD9]  }
0x89: {  	s3 =	sld [smem:$0x3FFE];
	_ =	sdelay $0x1  }
0x8a: {  	s1 =	srdreg.scid  }
0x8b: {  	s0 =	sand.u32 $0x1, s1  }
0x8c: {  	s17 =	sshll.u32 s0, $0xA;
	s2 =	sadd.s32 s3, s2  }
0x8d: {  	s2 =	sadd.s32 s2, s17  }
0x8e: {  	[smem:$0x3FC2] =	sst s2  }
0x8f: {  	_ = 	snop  }
0x90: {  	s2 =	sld [smem:$0x3FC9]  }
0x91: {  	s18 =	sld [smem:$0x3FC8]  }
0x92: {  	s4 =	sld [smem:$0x3FC7]  }
0x93: {  	s5 =	sld [smem:$0x3FC5]  }
0x94: {  	s6 =	sld [smem:$0x3FD0];
	(tm) =	ssettm $0x1  }
0x95: {  	s7 =	sld [smem:$0x3FFB];
	_ =	sdelay $0x3  }
0x96: {  	_ =	strace s7  }
0x97: {  	s7 =	sld [smem:$0x3FFC];
	_ =	sdelay $0x3  }
0x98: {  	_ =	strace s7  }
0x99: {  	s7 =	sld [smem:$0x3FFD];
	_ =	sdelay $0x3  }
0x9a: {  	_ =	strace s7  }
0x9b: {  	_ =	strace $0x8FFFFFFF  }
0x9c: {  	s19 =	sld [smem:$0x3FDB];
	_ =	sdelay $0x1  }
0x9d: {  	s8 =	simm.s32 $_scs_section_size  }
0x9e: {  	s9 =	simm.s32 $_size__tile_overlayer_lowered;
	s10 =	simm.s32 $_tile_overlayer_lowered  }
0x9f: {  	s22 =	simm.s32 $0x1BFF;
	s21 =	sshll.u32 s10, $0x1;
	s7 =	sadd.s32 s8, s19  }
0xa0: {  	s11 =	simm.s32 $0x0;
	s20 =	sshll.u32 s9, $0x1;
	s9 =	sadd.s32 s21, s7  }
0xa1: {  	[timem:s11], [sflag:s22] =	dma.local [hbm:s9], s20  }
0xa2: {  	_ =	swait.ge [sflag:s22], s20  }
0xa3: {  	s8 =	ssub.s32 $0x0, s20;
	[sflag:s22] =	ssyncset.done $0x0  }
0xa4: {  	[sflag:s22] =	ssyncadd.s32 s8;
	_ =	sdelay $0x1  }
0xa5: {  	s23 =	simm.s32 $0x1B8B  }
0xa6: {  	_ =	swait.ge [sflag:s23], $0x1  }
0xa7: {  	[sflag:s23] =	ssyncset.done $0x0  }
0xa8: {  	s25 =	simm.s32 $0x1B8E;
	s24 =	sld [smem:$0x3FFE];
	[sflag:s23] =	ssyncadd.s32 $0xFFFFFFFF  }
0xa9: {  	s26 =	simm.s32 $execute0_lowered;
	[smem:$0x3FD2] =	sst s25  }
0xaa: {  	s9 =	sshll.u32 s26, $0x1;
	_ =	strace $0x80000046;
	[dreg:$0x1] =	wrdreg $0xFFFFFFFF  }
0xab: {  	s28 =	simm.s32 $_size_execute0_lowered;
	s7 =	sadd.s32 s7, s9;
	[dreg:$0x0] =	wrdreg $0x0  }
0xac: {  	s9 =	sshll.u32 s28, $0x1;
	[dreg:$0x2] =	wrdreg s7  }
0xad: {  	[dreg:$0x3] =	wrdreg s9  }
0xae: {  	[dreg:$0x4] =	wrdreg $0xC0  }
0xaf: {  	_ =	task [dreg:s11], $0x5FFFF  }
0xb0: {  	[dreg:$0x1] =	wrdreg $0xFFFFFFFF  }
0xb1: {  	[dreg:$0x0] =	wrdreg $0x60  }
0xb2: {  	[dreg:$0x2] =	wrdreg s24  }
0xb3: {  	[dreg:$0x3] =	wrdreg s5  }
0xb4: {  	[dreg:$0x4] =	wrdreg s2  }
0xb5: {  	[dreg:$0x5] =	wrdreg s18  }
0xb6: {  	[dreg:$0x6] =	wrdreg s4  }
0xb7: {  	[dreg:$0x7] =	wrdreg s6  }
0xb8: {  	[dreg:$0x8] =	wrdreg $0x9  }
0xb9: {  	_ =	task.clear_ibuf [dreg:s11], $0x9FFFF;
	_ =	strace $0x90000046  }
0xba: {  	s29 =	simm.s32 $0x9;
	_ =	strace $0x80000048  }
0xbb: {  	_ =	swait.ge [sflag:s29], $0x1  }
0xbc: {  	[sflag:s29] =	ssyncadd.s32 $0xFFFFFFFF  }
0xbd: {  	_ =	strace $0x90000048  }
0xbe: {  	_ =	sfence  }
0xbf: {  	s30 =	sld [smem:$0x0];
	_ =	sdelay $0x2  }
0xc0: {  	s31 =	sshll.u32 s1, $0xD;
	s1 =	sshrl.u32 s1, $0x2  }
0xc1: {  	s3 =	sand.u32 $0x4000, s31;
	s1 =	sadd.s32 s1, s30  }
0xc2: {  	s0 =	sor.u32 s3, s0;
	s1 =	sshll.u32 s1, $0x11  }
0xc3: {  	s0 =	sor.u32 s1, s0  }
0xc4: {  	s0 =	sadd.s32 $0x8F2B, s0  }
0xc5: {  	[sflag:s0] =	ssyncadd.remote.s32 $0x1  }
0xc6: {  	_ =	sfence.sel $0xFFFF  }
0xc7: {  	[dreg:$0x0] =	wrdreg $0xFFFFFFFF;
	(pc) =	sbr.abs _section_cstart, $3  }
0xc8: {  	[dreg:$0x1] =	wrdreg $0xFFFFFFFF  }
0xc9: {  	_ =	task.clear_ibuf [dreg:s11], $0x2FFFF;
	_ =	strace $0x9FFFFFFF  }
0xca: {  	(tm) =	ssettm $0x7FFFFFFF  }
0xcb: {  	_ =	shalt  }
tec
execute0_lowered:
.L_overlay_start_1:
0x0: {  	(tag) =	ssettag $0x1  }
0x1: {  	s1 =	rddreg [dreg:$0x0]  }
0x2: {  	s0 =	rddreg [dreg:$0x1]  }
0x3: {  	s7 =	rddreg [dreg:$0x2]  }
0x4: {  	s2 =	srdreg.scid;
	s11 =	rddreg [dreg:$0x3]  }
0x5: {  	s13 =	stileid.u32;
	s12 =	rddreg [dreg:$0x4];
	s3 =	simm.s32 $0x0  }
0x6: {  	s17 =	simm.s32 $0x1;
	s18 =	simm.s32 $0x80;
	s28 =	simm.s32 $0x13200  }
0x7: {  	s29 =	simm.s32 $0x3;
	s4 =	sand.u32 $0x1, s2;
	s21 =	sshll.u32 s13, $0x1  }
0x8: {  	s30 =	simm.s32 $0x17200;
	s2 =	rddreg [dreg:$0x5];
	s5 =	sor.u32 s4, s21  }
0x9: {  	s31 =	simm.s32 $0x4;
	[smem:$0x7FF] =	sst s3;
	s6 =	smul.u32 $0x27, s5  }
0xa: {  	p0 =	seq.s32 s13, $0x0;
	p1 =	sne.s32 s13, $0x0;
	s5 =	smin.u32 s5, $0x2  }
0xb: {  	s8 =	ssub.s32 $0x2, s4;
	_ =	strace $0x80000047;
	s6 =	sadd.s32 s5, s6  }
0xc: {  	s4 =	sadd.s32 $0x800, s1;
	s22 =	sshrl.u32 s8, $0x1;
	s9 =	smul.u32 $0xA, s6  }
0xd: {  	s1 =	simm.s32 $0x5;
	s23 =	ssub.s32 s8, s22;
	s24 =	smul.u32 $0x50, s6  }
0xe: {  	s22 =	simm.s32 $0x0;
	s5 =	simm.s32 $0x19;
	s6 =	smul.u32 $0x2800, s6  }
0xf: {  	s5 =	simm.s32 @!p0 $0x18;
	s10 =	sadd.s32 s7, s9;
	s25 =	sshrl.u32 s24, $0x3  }
.Ltmp0:
0x10: {  	s8 =	sadd.s32 s11, s9;
	s15 =	sshrl.u32 s6, $0x3;
	(pc) =	sbr.rel .LBB2_1-.Ltmp0, $4  }
0x11: {  	s9 =	sadd.s32 s12, s9;
	[dreg:$0x7] =	wrdreg s10;
	s14 =	sadd.s32 $0x186, s25  }
0x12: {  	s26 =	sadd.s32 s2, s15;
	s10 =	sadd.s32 s7, s14;
	s11 =	sadd.s32 s11, s14  }
0x13: {  	s12 =	sadd.s32 s12, s14;
	s7 =	sadd.s32 $0xC000, s26;
	s14 =	smax.u32 s23, $0x1  }
0x14: {  	s23 =	simm.s32 $0xC80;
	s26 =	simm.s32 $0x2;
	[dreg:$0x8] =	wrdreg s7  }
.LBB2_17:
0x15: {  	s22 =	sadd.s32 $0x1, s22  }
0x16: {  	p2 =	sne.s32 s22, s14  }
.Ltmp1:
0x17: {  	_ = 	snop;
	(pc) =	sbr.rel @!p2 .LBB2_18-.Ltmp1, $1  }
0x18: {  	_ =	sdelay $0x3  }
.LBB2_1:
0x19: {  	s7 =	rddreg [dreg:$0x7]  }
0x1a: {  	[tilespmem:s3], [sflag:$0x1] =	stream.linear.gather [hbm4b:s7+s3], $0xC30, $0x38;
	[tilespmem:$0x1B200] =	vst v63  }
0x1b: {  	_ = 	snop  }
0x1c: {  	[tilespmem:s23], [sflag:$0x1] =	stream.linear.gather [hbm4b:s8+s3], $0xC30, $0x38;
	[tilespmem:$0x1B200] =	vst v63  }
0x1d: {  	s20 =	simm.s32 $0x1900  }
0x1e: {  	[tilespmem:s20], [sflag:$0x1] =	stream.linear.gather [hbm4b:s9+s3], $0xC30, $0x38;
	[tilespmem:$0x1B200] =	vst v63  }
0x1f: {  	_ =	swait.ge [sflag:s17], $0xC30  }
0x20: {  	[sflag:s17] =	ssyncset.done $0x0  }
0x21: {  	[sflag:s17] =	ssyncadd.s32 $0xFFFFF3D0  }
0x22: {  	_ =	swait.ge [sflag:s17], $0xC30  }
0x23: {  	[sflag:s17] =	ssyncset.done $0x0  }
0x24: {  	[sflag:s17] =	ssyncadd.s32 $0xFFFFF3D0  }
0x25: {  	_ =	swait.ge [sflag:s17], $0xC30  }
0x26: {  	[sflag:s17] =	ssyncset.done $0x0  }
0x27: {  	s13 =	simm.s32 @!p1 $0xC30;
	s7 =	simm.s32 @!p1 $0x0;
	[sflag:s17] =	ssyncadd.s32 $0xFFFFF3D0  }
0x28: {  	[tilespmem:s13], [sflag:$0x6] =	stream.linear.gather @!p1 [hbm4b:s10+s7], $0x50, $0x38;
	[tilespmem:$0x1B200] =	vst v63  }
0x29: {  	s13 =	simm.s32 @!p1 $0x6  }
0x2a: {  	_ =	swait.ge @!p1 [sflag:s13], $0x50  }
0x2b: {  	[sflag:s13] =	ssyncset.done @!p1 $0x0  }
0x2c: {  	s15 =	simm.s32 @!p1 $0x18B0;
	[sflag:s13] =	ssyncadd.s32 @!p1 $0xFFFFFFB0  }
0x2d: {  	[tilespmem:s15], [sflag:$0x6] =	stream.linear.gather @!p1 [hbm4b:s11+s7], $0x50, $0x38;
	[tilespmem:$0x1B200] =	vst v63  }
0x2e: {  	_ =	swait.ge @!p1 [sflag:s13], $0x50  }
0x2f: {  	[sflag:s13] =	ssyncset.done @!p1 $0x0  }
0x30: {  	s15 =	simm.s32 @!p1 $0x2530;
	[sflag:s13] =	ssyncadd.s32 @!p1 $0xFFFFFFB0  }
0x31: {  	[tilespmem:s15], [sflag:$0x6] =	stream.linear.gather @!p1 [hbm4b:s12+s7], $0x50, $0x38;
	[tilespmem:$0x1B200] =	vst v63  }
0x32: {  	_ =	swait.ge @!p1 [sflag:s13], $0x50  }
0x33: {  	[sflag:s13] =	ssyncset.done @!p1 $0x0  }
0x34: {  	s21 =	simm.s32 $0x20;
	[sflag:s13] =	ssyncadd.s32 @!p1 $0xFFFFFFB0  }
0x35: {  	v0 =	vld [tilespmem:s21+$0x10]  }
0x36: {  	s24 =	simm.s32 $0x1920;
	v1 =	vld [tilespmem:s21+$0xFFFFFFF0]  }
0x37: {  	v2 =	vld [tilespmem:s24+$0x10]  }
0x38: {  	v3 =	vld [tilespmem:s21+$0x0]  }
0x39: {  	v4 =	vld [tilespmem:s21+$0xFFFFFFE0]  }
0x3a: {  	v5 =	vld [tilespmem:s24+$0xFFFFFFE0]  }
0x3b: {  	v6 =	vld [tilespmem:s24+$0xFFFFFFF0]  }
0x3c: {  	s25 =	simm.s32 $0x60;
	v7 =	vld [tilespmem:s24+$0x0]  }
0x3d: {  	v8 =	vld [tilespmem:s25+$0x10];
	_ =	sdelay $0x1  }
0x3e: {  	vm0 =	vgt.s32 v0, $0x0;
	vm1 =	vgt.s32 v1, $0x0  }
0x3f: {  	vm14 =	vgt.s32 v2, $0x0;
	vm15 =	vgt.s32 v3, $0x0;
	vm4 =	vgt.s32 v4, $0x0  }
0x40: {  	vm5 =	vgt.s32 v5, $0x0;
	vm6 =	vgt.s32 v6, $0x0;
	vm2 =	vgt.s32 v7, $0x0  }
0x41: {  	v9 =	vld [tilespmem:s25+$0xFFFFFFF0];
	vm7 =	vgt.s32 v8, $0x0;
	v0 =	vnsel vm0, $0x0, v0;
	v1 =	vnsel vm1, $0x0, v1  }
0x42: {  	s13 =	simm.s32 $0x1960;
	v10 =	vld [tilespmem:s25+$0xFFFFFFE0];
	v2 =	vnsel vm14, $0x0, v2;
	v0 =	vmin.u32 v0, $0x61;
	v1 =	vmin.u32 v1, $0x61  }
0x43: {  	v11 =	vld [tilespmem:s13+$0xFFFFFFF0];
	v6 =	vnsel vm6, $0x0, v6;
	v0 =	vmul.u32 $0x15, v0;
	v1 =	vmul.u32 $0x15, v1  }
0x44: {  	v12 =	vld [tilespmem:s13+$0x0];
	v4 =	vnsel vm4, $0x0, v4;
	v2 =	vmin.u32 v2, $0x14;
	v6 =	vmin.u32 v6, $0x14  }
0x45: {  	s16 =	simm.s32 $0x25A0;
	v0 =	vadd.s32 v2, v0;
	v2 =	vmin.u32 v4, $0x61;
	v1 =	vadd.s32 v6, v1;
	v6 =	vld [tilespmem:s13+$0xFFFFFFE0]  }
0x46: {  	s7 =	simm.s32 $0xCA0;
	vm10 =	vgt.s32 v9, $0x0;
	v5 =	vnsel vm5, $0x0, v5;
	[tilespmem:s16+$0x10] =	vst v0;
	v0 =	vmul.u32 $0x15, v2;
	v2 =	vld [tilespmem:s13+$0x10]  }
0x47: {  	vm12 =	vgt.s32 v10, $0x0;
	v3 =	vnsel vm15, $0x0, v3;
	v5 =	vmin.u32 v5, $0x14;
	v4 =	vld [tilespmem:s7+$0x10]  }
0x48: {  	v7 =	vnsel vm2, $0x0, v7;
	v3 =	vmin.u32 v3, $0x61;
	v0 =	vadd.s32 v5, v0;
	v5 =	vld [tilespmem:s25+$0x0]  }
0x49: {  	v8 =	vnsel vm7, $0x0, v8;
	vm14 =	vgt.s32 v11, $0x0;
	v3 =	vmul.u32 $0x15, v3  }
0x4a: {  	vm15 =	vgt.s32 v12, $0x0;
	v7 =	vmin.u32 v7, $0x14;
	v8 =	vmin.u32 v8, $0x61  }
0x4b: {  	v8 =	vmul.u32 $0x15, v8;
	v3 =	vadd.s32 v7, v3;
	vm8 =	vgt.s32 v2, $0x0  }
0x4c: {  	[tilespmem:s16+$0xFFFFFFF0] =	vst v1;
	vm13 =	vgt.s32 v6, $0x0;
	vm9 =	vgt.s32 v4, $0x0;
	v2 =	vnsel vm8, $0x0, v2  }
0x4d: {  	v1 =	vld [tilespmem:s7+$0xFFFFFFF0];
	[tilespmem:s16+$0xFFFFFFE0] =	vst v0;
	v4 =	vnsel vm9, $0x0, v4;
	v2 =	vmin.u32 v2, $0x14;
	vm11 =	vgt.s32 v5, $0x0  }
0x4e: {  	[tilespmem:s16+$0x0] =	vst v3;
	s16 =	simm.s32 $0x25E0;
	v0 =	vld [tilespmem:s7+$0xFFFFFFE0];
	v2 =	vadd.s32 v2, v8;
	v7 =	vmin.u32 v4, $0x272D;
	v4 =	vnsel vm10, $0x0, v9  }
0x4f: {  	s15 =	simm.s32 $0xCE0;
	v5 =	vnsel vm11, $0x0, v5;
	v8 =	vnsel vm12, $0x0, v10;
	v10 =	vnsel vm13, $0x0, v6;
	[tilespmem:s16+$0x10] =	vst v2;
	v2 =	vld [tilespmem:s7+$0x0]  }
0x50: {  	v9 =	vmin.u32 v4, $0x61;
	v4 =	vmin.u32 v8, $0x61;
	v8 =	vmin.u32 v5, $0x61;
	v3 =	vld [tilespmem:s15+$0x10]  }
0x51: {  	[tilespmem:s7+$0x10] =	vst v7;
	v7 =	vmin.u32 v10, $0x14;
	v4 =	vmul.u32 $0x15, v4;
	v5 =	vmul.u32 $0x15, v9  }
0x52: {  	s19 =	simm.s32 $0x4;
	s20 =	simm.s32 $0xA0;
	v6 =	vmul.u32 $0x15, v8;
	v8 =	vnsel vm14, $0x0, v11;
	v9 =	vnsel vm15, $0x0, v12  }
.LBB2_2:
0x53: {  	v10 =	vld [tilespmem:s20+$0x10];
	s19 =	sadd.s32 $0x4, s19;
	v4 =	vadd.s32 v7, v4;
	v7 =	vmin.u32 v8, $0x14;
	v8 =	vmin.u32 v9, $0x14  }
0x54: {  	s13 =	sadd.s32 $0x40, s13;
	vm0 =	vgt.s32 v0, $0x0;
	v9 =	vld [tilespmem:s20+$0xFFFFFFF0];
	p2 =	slt.u32 s19, $0xC4;
	[tilespmem:s16+$0xFFFFFFE0] =	vst v4;
	v4 =	vadd.s32 v7, v5;
	v5 =	vadd.s32 v8, v6  }
0x55: {  	vm2 =	vgt.s32 v1, $0x0;
	vm3 =	vgt.s32 v2, $0x0;
	v6 =	vld [tilespmem:s13+$0x10];
	[tilespmem:s16+$0xFFFFFFF0] =	vst v4;
	vm1 =	vgt.s32 v3, $0x0  }
0x56: {  	v0 =	vnsel vm0, $0x0, v0;
	v1 =	vnsel vm2, $0x0, v1;
	v4 =	vld [tilespmem:s20+$0x0];
	[tilespmem:s16+$0x0] =	vst v5;
	v3 =	vnsel vm1, $0x0, v3  }
0x57: {  	v2 =	vnsel vm3, $0x0, v2;
	v0 =	vmin.u32 v0, $0x272D;
	v5 =	vld [tilespmem:s20+$0xFFFFFFE0];
	v3 =	vmin.u32 v3, $0x272D  }
0x58: {  	v1 =	vmin.u32 v1, $0x272D;
	v2 =	vmin.u32 v2, $0x272D;
	v7 =	vld [tilespmem:s13+$0xFFFFFFE0];
	vm0 =	vgt.s32 v10, $0x0;
	[tilespmem:s15+$0x10] =	vst v3  }
0x59: {  	vm1 =	vgt.s32 v9, $0x0;
	v8 =	vld [tilespmem:s13+$0xFFFFFFF0];
	v3 =	vnsel vm0, $0x0, v10;
	[tilespmem:s7+$0xFFFFFFE0] =	vst v0  }
0x5a: {  	v9 =	vnsel vm1, $0x0, v9;
	v10 =	vld [tilespmem:s13+$0x0];
	v0 =	vmin.u32 v3, $0x61;
	vm0 =	vgt.s32 v6, $0x0;
	[tilespmem:s7+$0xFFFFFFF0] =	vst v1  }
0x5b: {  	vm1 =	vgt.s32 v4, $0x0;
	v1 =	vnsel vm0, $0x0, v6;
	v3 =	vmul.u32 $0x15, v0;
	v0 =	vld [tilespmem:s15+$0xFFFFFFE0];
	[tilespmem:s7+$0x0] =	vst v2;
	s7 =	smov.u32 s15  }
0x5c: {  	vm0 =	vgt.s32 v5, $0x0;
	v4 =	vnsel vm1, $0x0, v4;
	v2 =	vmin.u32 v1, $0x14;
	v1 =	vld [tilespmem:s15+$0xFFFFFFF0]  }
.Ltmp2:
0x5d: {  	s16 =	sadd.s32 $0x40, s16;
	v6 =	vmin.u32 v9, $0x61;
	v5 =	vnsel vm0, $0x0, v5;
	v3 =	vadd.s32 v2, v3;
	v2 =	vld [tilespmem:s15+$0x0];
	(pc) =	sbr.rel @p2 .LBB2_2-.Ltmp2, $4  }
0x5e: {  	vm0 =	vgt.s32 v7, $0x0;
	v9 =	vmin.u32 v4, $0x61;
	s15 =	sadd.s32 $0x40, s15;
	v5 =	vmin.u32 v5, $0x61;
	[tilespmem:s16+$0x10] =	vst v3  }
0x5f: {  	vm1 =	vgt.s32 v8, $0x0;
	v4 =	vmul.u32 $0x15, v5;
	vm2 =	vgt.s32 v10, $0x0;
	v3 =	vld [tilespmem:s15+$0x10]  }
0x60: {  	v7 =	vnsel vm0, $0x0, v7;
	v5 =	vmul.u32 $0x15, v6;
	v6 =	vmul.u32 $0x15, v9  }
0x61: {  	s20 =	sadd.s32 $0x40, s20;
	v7 =	vmin.u32 v7, $0x14;
	v8 =	vnsel vm1, $0x0, v8;
	v9 =	vnsel vm2, $0x0, v10  }
0x62: {  	v4 =	vadd.s32 v7, v4;
	v52 =	vmin.u32 v8, $0x14  }
0x63: {  	v53 =	vmin.u32 v9, $0x14;
	[tilespmem:s16+$0xFFFFFFE0] =	vst v4;
	v54 =	vadd.s32 v52, v5  }
0x64: {  	v55 =	vadd.s32 v53, v6;
	[tilespmem:s16+$0xFFFFFFF0] =	vst v54;
	v56 =	vld [tilespmem:s15+$0xFFFFFFE0]  }
0x65: {  	vm1 =	vgt.s32 v0, $0x0;
	[tilespmem:s16+$0x0] =	vst v55;
	v57 =	vld [tilespmem:s15+$0xFFFFFFF0]  }
0x66: {  	vm11 =	vgt.s32 v1, $0x0;
	v0 =	vnsel vm1, $0x0, v0;
	v58 =	vld [tilespmem:s15+$0x0]  }
0x67: {  	vm12 =	vgt.s32 v2, $0x0;
	v1 =	vnsel vm11, $0x0, v1;
	v0 =	vmin.u32 v0, $0x272D  }
0x68: {  	v2 =	vnsel vm12, $0x0, v2;
	vm0 =	vgt.s32 v3, $0x0;
	v1 =	vmin.u32 v1, $0x272D;
	[tilespmem:s7+$0xFFFFFFE0] =	vst v0  }
0x69: {  	v59 =	vmin.u32 v2, $0x272D;
	v3 =	vnsel vm0, $0x0, v3;
	[tilespmem:s7+$0xFFFFFFF0] =	vst v1;
	vm13 =	vgt.s32 v56, $0x0  }
0x6a: {  	[tilespmem:s7+$0x0] =	vst v59;
	v3 =	vmin.u32 v3, $0x272D;
	vm14 =	vgt.s32 v57, $0x0;
	v60 =	vnsel vm13, $0x0, v56  }
0x6b: {  	[tilespmem:s15+$0x10] =	vst v3;
	vm15 =	vgt.s32 v58, $0x0;
	v61 =	vnsel vm14, $0x0, v57;
	v1 =	vmin.u32 v60, $0x272D  }
0x6c: {  	v62 =	vnsel vm15, $0x0, v58;
	v0 =	vmin.u32 v61, $0x272D;
	[tilespmem:s15+$0xFFFFFFE0] =	vst v1  }
0x6d: {  	v63 =	vmin.u32 v62, $0x272D;
	[tilespmem:s15+$0xFFFFFFF0] =	vst v0  }
0x6e: {  	s19 =	simm.s32 $0x2580;
	s13 =	simm.s32 $0x3200;
	[tilespmem:s15+$0x0] =	vst v63  }
0x6f: {  	[tilespmem:s13], [sflag:$0x2] =	stream.indirect.gather [hbm4b:s4+s18], $0x80, s19, s18, $0xb8;
	[tilespmem:$0x1B200] =	vst v63  }
0x70: {  	s20 =	simm.s32 $0xB200  }
0x71: {  	[tilespmem:s20], [sflag:$0x2] =	stream.indirect.gather [hbm4b:s0+s18], $0x80, s23, s18, $0xb8;
	[tilespmem:$0x1B200] =	vst v63  }
.Ltmp3:
0x72: {  	_ = 	snop;
	(pc) =	sbr.rel .LBB2_4-.Ltmp3, $4  }
0x73: {  	s21 =	simm.s32 $0x2600;
	s23 =	simm.s32 $0x7200  }
0x74: {  	[tilespmem:s23], [sflag:$0x3] =	stream.indirect.gather [hbm4b:s4+s18], $0x80, s21, s18, $0xb8;
	[tilespmem:$0x1B200] =	vst v63  }
0x75: {  	s24 =	simm.s32 $0xD00;
	s25 =	simm.s32 $0xF200;
	s23 =	simm.s32 $0x0  }
0x76: {  	[tilespmem:s25], [sflag:$0x3] =	stream.indirect.gather [hbm4b:s0+s18], $0x80, s24, s18, $0xb8;
	[tilespmem:$0x1B200] =	vst v63  }
.LBB2_12:
0x77: {  	s23 =	sadd.s32 $0x1, s23  }
0x78: {  	p2 =	sne.s32 s23, $0xD  }
.Ltmp4:
0x79: {  	_ = 	snop;
	(pc) =	sbr.rel @!p2 .LBB2_13-.Ltmp4, $1  }
0x7a: {  	_ =	sdelay $0x3  }
.LBB2_4:
0x7b: {  	s24 =	sshll.u32 s23, $0x1  }
0x7c: {  	p2 =	sge.u32 s24, s5  }
.Ltmp5:
0x7d: {  	_ = 	snop;
	(pc) =	sbr.rel @p2 .LBB2_8-.Ltmp5, $1  }
0x7e: {  	_ =	sdelay $0x3  }
0x7f: {  	_ =	swait.ge [sflag:s26], $0x4000  }
0x80: {  	[sflag:s26] =	ssyncset.done $0x0  }
0x81: {  	[sflag:s26] =	ssyncadd.s32 $0xFFFFC000  }
0x82: {  	_ =	swait.ge [sflag:s26], $0x4000  }
0x83: {  	p2 =	seq.s32 s23, $0x0;
	[sflag:s26] =	ssyncset.done $0x0  }
0x84: {  	s7 =	simm.s32 @!p2 $0x4;
	[sflag:s26] =	ssyncadd.s32 $0xFFFFC000  }
0x85: {  	_ =	swait.ge @!p2 [sflag:s7], $0x4000  }
0x86: {  	[sflag:s7] =	ssyncset.done @!p2 $0x0  }
0x87: {  	s25 =	simm.s32 $0x3300;
	[sflag:s7] =	ssyncadd.s32 @!p2 $0xFFFFC000  }
0x88: {  	s16 =	simm.s32 $0xB300;
	v0 =	vld [tilespmem:s25+$0x80]  }
0x89: {  	v1 =	vld [tilespmem:s16+$0x80];
	_ =	sdelay $0x2  }
0x8a: {  	v2 =	vld [tilespmem:s25+$0xFFFFFF80]  }
0x8b: {  	v3 =	vld [tilespmem:s16+$0xFFFFFF80]  }
0x8c: {  	v4 =	vld [tilespmem:s16+$0xFFFFFF00];
	v0 =	vadd.f32 v1, v0  }
0x8d: {  	s13 =	simm.s32 $0x13300;
	v1 =	vld [tilespmem:s25+$0xFFFFFF00]  }
0x8e: {  	[tilespmem:s13+$0x80] =	vst v0  }
0x8f: {  	v0 =	vld [tilespmem:s25+$0x90]  }
0x90: {  	v2 =	vadd.f32 v3, v2;
	v3 =	vld [tilespmem:s16+$0x90]  }
0x91: {  	v5 =	vld [tilespmem:s25+$0x0]  }
0x92: {  	v6 =	vld [tilespmem:s16+$0x0];
	[tilespmem:s13+$0xFFFFFF80] =	vst v2;
	v1 =	vadd.f32 v4, v1  }
0x93: {  	v2 =	vld [tilespmem:s25+$0xFFFFFF90]  }
0x94: {  	v4 =	vld [tilespmem:s16+$0xFFFFFF90];
	[tilespmem:s13+$0xFFFFFF00] =	vst v1  }
0x95: {  	v1 =	vld [tilespmem:s25+$0xFFFFFF10];
	v0 =	vadd.f32 v3, v0  }
0x96: {  	v3 =	vld [tilespmem:s16+$0xFFFFFF10]  }
0x97: {  	v5 =	vadd.f32 v6, v5;
	[tilespmem:s13+$0x90] =	vst v0  }
0x98: {  	v0 =	vld [tilespmem:s25+$0xA0]  }
0x99: {  	[tilespmem:s13+$0x0] =	vst v5;
	v2 =	vadd.f32 v4, v2;
	v4 =	vld [tilespmem:s16+$0xA0]  }
0x9a: {  	v5 =	vld [tilespmem:s25+$0x10]  }
0x9b: {  	v6 =	vld [tilespmem:s16+$0x10];
	[tilespmem:s13+$0xFFFFFF90] =	vst v2;
	v1 =	vadd.f32 v3, v1  }
0x9c: {  	v2 =	vld [tilespmem:s25+$0xFFFFFFA0]  }
0x9d: {  	v3 =	vld [tilespmem:s16+$0xFFFFFFA0];
	[tilespmem:s13+$0xFFFFFF10] =	vst v1  }
0x9e: {  	v1 =	vld [tilespmem:s25+$0xFFFFFF20];
	v0 =	vadd.f32 v4, v0  }
0x9f: {  	v4 =	vld [tilespmem:s16+$0xFFFFFF20]  }
0xa0: {  	v5 =	vadd.f32 v6, v5;
	[tilespmem:s13+$0xA0] =	vst v0  }
0xa1: {  	v0 =	vld [tilespmem:s25+$0xB0]  }
0xa2: {  	[tilespmem:s13+$0x10] =	vst v5;
	v2 =	vadd.f32 v3, v2;
	v3 =	vld [tilespmem:s16+$0xB0]  }
0xa3: {  	v5 =	vld [tilespmem:s25+$0x20]  }
0xa4: {  	[tilespmem:s13+$0xFFFFFFA0] =	vst v2;
	v2 =	vld [tilespmem:s16+$0x20];
	v1 =	vadd.f32 v4, v1  }
0xa5: {  	v4 =	vld [tilespmem:s25+$0xFFFFFFB0]  }
0xa6: {  	v6 =	vld [tilespmem:s16+$0xFFFFFFB0];
	[tilespmem:s13+$0xFFFFFF20] =	vst v1  }
0xa7: {  	v1 =	vld [tilespmem:s25+$0xFFFFFF30];
	v0 =	vadd.f32 v3, v0  }
0xa8: {  	v3 =	vld [tilespmem:s16+$0xFFFFFF30]  }
0xa9: {  	v2 =	vadd.f32 v2, v5;
	[tilespmem:s13+$0xB0] =	vst v0  }
0xaa: {  	v0 =	vld [tilespmem:s25+$0xC0]  }
0xab: {  	v4 =	vadd.f32 v6, v4;
	[tilespmem:s13+$0x20] =	vst v2;
	v2 =	vld [tilespmem:s16+$0xC0]  }
0xac: {  	v5 =	vld [tilespmem:s25+$0x30]  }
0xad: {  	[tilespmem:s13+$0xFFFFFFB0] =	vst v4;
	v1 =	vadd.f32 v3, v1;
	v3 =	vld [tilespmem:s16+$0x30]  }
0xae: {  	v4 =	vld [tilespmem:s25+$0xFFFFFFC0]  }
0xaf: {  	[tilespmem:s13+$0xFFFFFF30] =	vst v1;
	v1 =	vld [tilespmem:s16+$0xFFFFFFC0]  }
0xb0: {  	v6 =	vld [tilespmem:s25+$0xFFFFFF40];
	v0 =	vadd.f32 v2, v0  }
0xb1: {  	v2 =	vld [tilespmem:s16+$0xFFFFFF40]  }
0xb2: {  	v3 =	vadd.f32 v3, v5;
	[tilespmem:s13+$0xC0] =	vst v0  }
0xb3: {  	v0 =	vld [tilespmem:s25+$0xD0]  }
0xb4: {  	v1 =	vadd.f32 v1, v4;
	[tilespmem:s13+$0x30] =	vst v3;
	v3 =	vld [tilespmem:s16+$0xD0]  }
0xb5: {  	v4 =	vld [tilespmem:s25+$0x40]  }
0xb6: {  	v2 =	vadd.f32 v2, v6;
	[tilespmem:s13+$0xFFFFFFC0] =	vst v1;
	v1 =	vld [tilespmem:s16+$0x40]  }
0xb7: {  	v5 =	vld [tilespmem:s25+$0xFFFFFFD0]  }
0xb8: {  	[tilespmem:s13+$0xFFFFFF40] =	vst v2;
	v2 =	vld [tilespmem:s16+$0xFFFFFFD0]  }
0xb9: {  	v6 =	vld [tilespmem:s25+$0xFFFFFF50];
	v0 =	vadd.f32 v3, v0  }
0xba: {  	v3 =	vld [tilespmem:s16+$0xFFFFFF50]  }
0xbb: {  	v1 =	vadd.f32 v1, v4;
	[tilespmem:s13+$0xD0] =	vst v0  }
0xbc: {  	v7 =	vld [tilespmem:s25+$0xE0]  }
0xbd: {  	v0 =	vadd.f32 v2, v5;
	v5 =	vld [tilespmem:s16+$0xE0];
	[tilespmem:s13+$0x40] =	vst v1  }
0xbe: {  	v1 =	vld [tilespmem:s25+$0x50]  }
0xbf: {  	v2 =	vadd.f32 v3, v6;
	[tilespmem:s13+$0xFFFFFFD0] =	vst v0;
	v4 =	vld [tilespmem:s16+$0x50]  }
0xc0: {  	v0 =	vld [tilespmem:s25+$0xFFFFFFE0]  }
0xc1: {  	v3 =	vld [tilespmem:s16+$0xFFFFFFE0];
	[tilespmem:s13+$0xFFFFFF50] =	vst v2  }
0xc2: {  	s21 =	simm.s32 $0x0;
	v2 =	vld [tilespmem:s25+$0xFFFFFF60];
	v6 =	vadd.f32 v5, v7  }
0xc3: {  	s19 =	simm.s32 $0x3500;
	s15 =	simm.s32 $0xB300;
	s20 =	simm.s32 $0x13300;
	v5 =	vld [tilespmem:s16+$0xFFFFFF60]  }
.LBB2_6:
0xc4: {  	v7 =	vld [tilespmem:s19+$0x80];
	v1 =	vadd.f32 v4, v1;
	[tilespmem:s13+$0xE0] =	vst v6  }
0xc5: {  	v4 =	vld [tilespmem:s25+$0xF0]  }
0xc6: {  	s15 =	sadd.s32 $0x200, s15;
	v0 =	vadd.f32 v3, v0;
	[tilespmem:s13+$0x50] =	vst v1;
	v1 =	vld [tilespmem:s16+$0xF0]  }
0xc7: {  	v3 =	vld [tilespmem:s15+$0x80]  }
0xc8: {  	v6 =	vld [tilespmem:s15+$0xFFFFFF00];
	v2 =	vadd.f32 v5, v2;
	[tilespmem:s13+$0xFFFFFFE0] =	vst v0  }
0xc9: {  	v0 =	vld [tilespmem:s19+$0xFFFFFF80]  }
0xca: {  	v5 =	vld [tilespmem:s15+$0xFFFFFF80];
	[tilespmem:s13+$0xFFFFFF60] =	vst v2  }
0xcb: {  	v2 =	vld [tilespmem:s19+$0x0];
	v1 =	vadd.f32 v1, v4  }
0xcc: {  	v4 =	vld [tilespmem:s15+$0x0];
	v3 =	vadd.f32 v3, v7  }
0xcd: {  	s13 =	sadd.s32 $0x200, s13;
	v7 =	vld [tilespmem:s19+$0xFFFFFF00];
	[tilespmem:s20+$0xF0] =	vst v1  }
0xce: {  	s21 =	sadd.s32 $0x4, s21;
	[tilespmem:s13+$0x80] =	vst v3;
	v1 =	vld [tilespmem:s25+$0x60]  }
0xcf: {  	p2 =	slt.u32 s21, $0x7C;
	v0 =	vadd.f32 v5, v0;
	v3 =	vld [tilespmem:s19+$0x90]  }
0xd0: {  	v5 =	vld [tilespmem:s15+$0x90]  }
0xd1: {  	[tilespmem:s13+$0xFFFFFF80] =	vst v0;
	v0 =	vadd.f32 v4, v2;
	v2 =	vld [tilespmem:s16+$0x60]  }
0xd2: {  	v4 =	vadd.f32 v6, v7;
	v6 =	vld [tilespmem:s19+$0xFFFFFF90]  }
0xd3: {  	v7 =	vld [tilespmem:s15+$0xFFFFFF90];
	[tilespmem:s13+$0x0] =	vst v0  }
0xd4: {  	[tilespmem:s13+$0xFFFFFF00] =	vst v4;
	v0 =	vld [tilespmem:s19+$0x10]  }
0xd5: {  	v4 =	vld [tilespmem:s19+$0xFFFFFF10];
	v3 =	vadd.f32 v5, v3  }
0xd6: {  	v5 =	vld [tilespmem:s15+$0xFFFFFF10];
	v1 =	vadd.f32 v2, v1  }
0xd7: {  	v2 =	vld [tilespmem:s15+$0x10];
	[tilespmem:s13+$0x90] =	vst v3  }
0xd8: {  	v3 =	vadd.f32 v7, v6;
	v6 =	vld [tilespmem:s19+$0xA0];
	[tilespmem:s20+$0x60] =	vst v1  }
0xd9: {  	v1 =	vld [tilespmem:s15+$0xA0]  }
0xda: {  	[tilespmem:s13+$0xFFFFFF90] =	vst v3;
	v3 =	vld [tilespmem:s25+$0xFFFFFF70]  }
0xdb: {  	v4 =	vadd.f32 v5, v4;
	v5 =	vld [tilespmem:s19+$0xFFFFFFA0]  }
0xdc: {  	v7 =	vld [tilespmem:s15+$0xFFFFFFA0];
	v0 =	vadd.f32 v2, v0  }
0xdd: {  	[tilespmem:s13+$0xFFFFFF10] =	vst v4;
	v2 =	vld [tilespmem:s16+$0xFFFFFF70]  }
0xde: {  	v4 =	vld [tilespmem:s19+$0xFFFFFF20];
	[tilespmem:s13+$0x10] =	vst v0;
	v0 =	vadd.f32 v1, v6  }
0xdf: {  	v1 =	vld [tilespmem:s15+$0xFFFFFF20]  }
0xe0: {  	v6 =	vld [tilespmem:s19+$0x20];
	[tilespmem:s13+$0xA0] =	vst v0  }
0xe1: {  	v0 =	vadd.f32 v7, v5;
	v5 =	vld [tilespmem:s19+$0xB0]  }
0xe2: {  	v7 =	vld [tilespmem:s15+$0xB0];
	v2 =	vadd.f32 v2, v3  }
0xe3: {  	[tilespmem:s13+$0xFFFFFFA0] =	vst v0;
	v0 =	vld [tilespmem:s15+$0x20]  }
0xe4: {  	v1 =	vadd.f32 v1, v4;
	v3 =	vld [tilespmem:s19+$0xFFFFFFB0];
	[tilespmem:s20+$0xFFFFFF70] =	vst v2  }
0xe5: {  	v2 =	vld [tilespmem:s15+$0xFFFFFFB0]  }
0xe6: {  	[tilespmem:s13+$0xFFFFFF20] =	vst v1;
	v1 =	vld [tilespmem:s25+$0xFFFFFFF0]  }
0xe7: {  	v4 =	vld [tilespmem:s19+$0xFFFFFF30];
	v5 =	vadd.f32 v7, v5  }
0xe8: {  	v7 =	vld [tilespmem:s15+$0xFFFFFF30];
	v0 =	vadd.f32 v0, v6  }
0xe9: {  	[tilespmem:s13+$0xB0] =	vst v5;
	v5 =	vld [tilespmem:s16+$0xFFFFFFF0]  }
0xea: {  	v2 =	vadd.f32 v2, v3;
	[tilespmem:s13+$0x20] =	vst v0;
	v0 =	vld [tilespmem:s19+$0xC0]  }
0xeb: {  	v3 =	vld [tilespmem:s15+$0xC0]  }
0xec: {  	[tilespmem:s13+$0xFFFFFFB0] =	vst v2;
	v2 =	vld [tilespmem:s19+$0x30]  }
0xed: {  	v4 =	vadd.f32 v7, v4;
	v6 =	vld [tilespmem:s15+$0x30]  }
0xee: {  	v7 =	vld [tilespmem:s19+$0xFFFFFFC0];
	v1 =	vadd.f32 v5, v1  }
0xef: {  	[tilespmem:s13+$0xFFFFFF30] =	vst v4;
	v4 =	vld [tilespmem:s15+$0xFFFFFFC0]  }
0xf0: {  	v5 =	vld [tilespmem:s19+$0xFFFFFF40];
	v0 =	vadd.f32 v3, v0;
	[tilespmem:s20+$0xFFFFFFF0] =	vst v1  }
0xf1: {  	v1 =	vld [tilespmem:s15+$0xFFFFFF40]  }
0xf2: {  	v2 =	vadd.f32 v6, v2;
	[tilespmem:s13+$0xC0] =	vst v0;
	v3 =	vld [tilespmem:s25+$0x70];
	s25 =	smov.u32 s19  }
0xf3: {  	v0 =	vld [tilespmem:s19+$0xD0]  }
0xf4: {  	v4 =	vadd.f32 v4, v7;
	[tilespmem:s13+$0x30] =	vst v2;
	v2 =	vld [tilespmem:s15+$0xD0]  }
0xf5: {  	v6 =	vld [tilespmem:s19+$0x40]  }
0xf6: {  	v1 =	vadd.f32 v1, v5;
	[tilespmem:s13+$0xFFFFFFC0] =	vst v4;
	v4 =	vld [tilespmem:s15+$0x40]  }
0xf7: {  	v5 =	vld [tilespmem:s19+$0xFFFFFFD0]  }
0xf8: {  	[tilespmem:s13+$0xFFFFFF40] =	vst v1;
	v1 =	vld [tilespmem:s15+$0xFFFFFFD0]  }
0xf9: {  	v7 =	vld [tilespmem:s19+$0xFFFFFF50];
	v0 =	vadd.f32 v2, v0  }
0xfa: {  	v2 =	vld [tilespmem:s15+$0xFFFFFF50]  }
0xfb: {  	v4 =	vadd.f32 v4, v6;
	[tilespmem:s13+$0xD0] =	vst v0;
	v6 =	vld [tilespmem:s16+$0x70];
	s16 =	smov.u32 s15  }
0xfc: {  	v8 =	vld [tilespmem:s19+$0xE0]  }
0xfd: {  	v0 =	vadd.f32 v1, v5;
	[tilespmem:s13+$0x40] =	vst v4;
	v5 =	vld [tilespmem:s15+$0xE0]  }
0xfe: {  	v1 =	vld [tilespmem:s19+$0x50]  }
.Ltmp6:
0xff: {  	v2 =	vadd.f32 v2, v7;
	[tilespmem:s13+$0xFFFFFFD0] =	vst v0;
	v4 =	vld [tilespmem:s15+$0x50];
	(pc) =	sbr.rel @p2 .LBB2_6-.Ltmp6, $4  }
0x100: {  	v0 =	vld [tilespmem:s19+$0xFFFFFFE0];
	v7 =	vadd.f32 v6, v3  }
0x101: {  	[tilespmem:s13+$0xFFFFFF50] =	vst v2;
	v3 =	vld [tilespmem:s15+$0xFFFFFFE0]  }
0x102: {  	v2 =	vld [tilespmem:s19+$0xFFFFFF60];
	v6 =	vadd.f32 v5, v8;
	[tilespmem:s20+$0x70] =	vst v7;
	s20 =	smov.u32 s13  }
0x103: {  	s19 =	sadd.s32 $0x200, s19;
	v5 =	vld [tilespmem:s15+$0xFFFFFF60]  }
0x104: {  	v1 =	vadd.f32 v4, v1;
	_ =	sdelay $0x1  }
0x105: {  	[tilespmem:s13+$0x50] =	vst v1  }
0x106: {  	v1 =	vld [tilespmem:s25+$0x60]  }
0x107: {  	v55 =	vld [tilespmem:s16+$0x60]  }
0x108: {  	[tilespmem:s13+$0xE0] =	vst v6;
	v0 =	vadd.f32 v3, v0  }
0x109: {  	v56 =	vld [tilespmem:s25+$0xF0]  }
0x10a: {  	v57 =	vld [tilespmem:s16+$0xF0];
	v2 =	vadd.f32 v5, v2;
	[tilespmem:s13+$0xFFFFFFE0] =	vst v0  }
0x10b: {  	v60 =	vld [tilespmem:s25+$0xFFFFFFF0]  }
0x10c: {  	v61 =	vld [tilespmem:s16+$0xFFFFFFF0];
	[tilespmem:s13+$0xFFFFFF60] =	vst v2;
	v58 =	vadd.f32 v55, v1  }
0x10d: {  	v2 =	vld [tilespmem:s25+$0xFFFFFF70]  }
0x10e: {  	v59 =	vld [tilespmem:s16+$0xFFFFFF70];
	[tilespmem:s20+$0x60] =	vst v58  }
0x10f: {  	v62 =	vld [tilespmem:s25+$0x70]  }
0x110: {  	v7 =	vld [tilespmem:s16+$0x70];
	_ =	sdelay $0x1  }
0x111: {  	v3 =	vadd.f32 v57, v56  }
0x112: {  	v0 =	vadd.f32 v61, v60  }
0x113: {  	s7 =	sshll.u32 s23, $0xF;
	[tilespmem:s20+$0xF0] =	vst v3;
	v1 =	vadd.f32 v59, v2  }
0x114: {  	s7 =	sadd.s32 s6, s7;
	[tilespmem:s20+$0xFFFFFFF0] =	vst v0;
	v63 =	vadd.f32 v7, v62  }
0x115: {  	s7 =	sshrl.u32 s7, $0x3;
	[tilespmem:s20+$0xFFFFFF70] =	vst v1  }
0x116: {  	s7 =	sadd.s32 s2, s7;
	[tilespmem:s20+$0x70] =	vst v63  }
0x117: {  	[hbm4b:s7+s3] =	stream.linear.scatter [tilespmem:s28], [sflag:$0x4], $0x4000, $0x38;
	[tilespmem:$0x1B200] =	vst v63  }
0x118: {  	s7 =	sadd.s32 $0x2, s24  }
0x119: {  	p2 =	sge.u32 s7, s5  }
0x11a: {  	s7 =	sshll.u32 @!p2 s7, $0x7  }
0x11b: {  	s15 =	simm.s32 @!p2 $0x80;
	s16 =	simm.s32 @!p2 $0x3200;
	s13 =	sadd.s32 @!p2 $0x2580, s7  }
0x11c: {  	[tilespmem:s16], [sflag:$0x2] =	stream.indirect.gather @!p2 [hbm4b:s4+s15], $0x80, s13, s15, $0xb8;
	[tilespmem:$0x1B200] =	vst v63  }
0x11d: {  	s7 =	sadd.s32 @!p2 $0xC80, s7;
	s13 =	simm.s32 @!p2 $0xB200  }
0x11e: {  	[tilespmem:s13], [sflag:$0x2] =	stream.indirect.gather @!p2 [hbm4b:s0+s15], $0x80, s7, s15, $0xb8;
	[tilespmem:$0x1B200] =	vst v63  }
.LBB2_8:
0x11f: {  	s25 =	sor.u32 $0x1, s24  }
0x120: {  	p2 =	sge.u32 s25, s5  }
.Ltmp7:
0x121: {  	_ = 	snop;
	(pc) =	sbr.rel @p2 .LBB2_12-.Ltmp7, $1  }
0x122: {  	_ =	sdelay $0x3  }
0x123: {  	_ =	swait.ge [sflag:s29], $0x4000  }
0x124: {  	[sflag:s29] =	ssyncset.done $0x0  }
0x125: {  	[sflag:s29] =	ssyncadd.s32 $0xFFFFC000  }
0x126: {  	_ =	swait.ge [sflag:s29], $0x4000  }
0x127: {  	p2 =	seq.s32 s23, $0x0;
	[sflag:s29] =	ssyncset.done $0x0  }
0x128: {  	s7 =	simm.s32 @!p2 $0x5;
	[sflag:s29] =	ssyncadd.s32 $0xFFFFC000  }
0x129: {  	_ =	swait.ge @!p2 [sflag:s7], $0x4000  }
0x12a: {  	[sflag:s7] =	ssyncset.done @!p2 $0x0  }
0x12b: {  	s16 =	simm.s32 $0x7300;
	[sflag:s7] =	ssyncadd.s32 @!p2 $0xFFFFC000  }
0x12c: {  	s13 =	simm.s32 $0xF300;
	v0 =	vld [tilespmem:s16+$0x80]  }
0x12d: {  	v1 =	vld [tilespmem:s13+$0x80];
	_ =	sdelay $0x2  }
0x12e: {  	v2 =	vld [tilespmem:s16+$0xFFFFFF80]  }
0x12f: {  	v3 =	vld [tilespmem:s13+$0xFFFFFF80]  }
0x130: {  	v4 =	vld [tilespmem:s13+$0xFFFFFF00];
	v0 =	vadd.f32 v1, v0  }
0x131: {  	s20 =	simm.s32 $0x17300;
	v1 =	vld [tilespmem:s16+$0xFFFFFF00]  }
0x132: {  	[tilespmem:s20+$0x80] =	vst v0  }
0x133: {  	v0 =	vld [tilespmem:s16+$0x90]  }
0x134: {  	v2 =	vadd.f32 v3, v2;
	v3 =	vld [tilespmem:s13+$0x90]  }
0x135: {  	v5 =	vld [tilespmem:s16+$0x0]  }
0x136: {  	v6 =	vld [tilespmem:s13+$0x0];
	[tilespmem:s20+$0xFFFFFF80] =	vst v2;
	v1 =	vadd.f32 v4, v1  }
0x137: {  	v2 =	vld [tilespmem:s16+$0xFFFFFF90]  }
0x138: {  	v4 =	vld [tilespmem:s13+$0xFFFFFF90];
	[tilespmem:s20+$0xFFFFFF00] =	vst v1  }
0x139: {  	v1 =	vld [tilespmem:s16+$0xFFFFFF10];
	v0 =	vadd.f32 v3, v0  }
0x13a: {  	v3 =	vld [tilespmem:s13+$0xFFFFFF10]  }
0x13b: {  	v5 =	vadd.f32 v6, v5;
	[tilespmem:s20+$0x90] =	vst v0  }
0x13c: {  	v0 =	vld [tilespmem:s16+$0xA0]  }
0x13d: {  	[tilespmem:s20+$0x0] =	vst v5;
	v2 =	vadd.f32 v4, v2;
	v4 =	vld [tilespmem:s13+$0xA0]  }
0x13e: {  	v5 =	vld [tilespmem:s16+$0x10]  }
0x13f: {  	v6 =	vld [tilespmem:s13+$0x10];
	[tilespmem:s20+$0xFFFFFF90] =	vst v2;
	v1 =	vadd.f32 v3, v1  }
0x140: {  	v2 =	vld [tilespmem:s16+$0xFFFFFFA0]  }
0x141: {  	v3 =	vld [tilespmem:s13+$0xFFFFFFA0];
	[tilespmem:s20+$0xFFFFFF10] =	vst v1  }
0x142: {  	v1 =	vld [tilespmem:s16+$0xFFFFFF20];
	v0 =	vadd.f32 v4, v0  }
0x143: {  	v4 =	vld [tilespmem:s13+$0xFFFFFF20]  }
0x144: {  	v5 =	vadd.f32 v6, v5;
	[tilespmem:s20+$0xA0] =	vst v0  }
0x145: {  	v0 =	vld [tilespmem:s16+$0xB0]  }
0x146: {  	[tilespmem:s20+$0x10] =	vst v5;
	v2 =	vadd.f32 v3, v2;
	v3 =	vld [tilespmem:s13+$0xB0]  }
0x147: {  	v5 =	vld [tilespmem:s16+$0x20]  }
0x148: {  	[tilespmem:s20+$0xFFFFFFA0] =	vst v2;
	v2 =	vld [tilespmem:s13+$0x20];
	v1 =	vadd.f32 v4, v1  }
0x149: {  	v4 =	vld [tilespmem:s16+$0xFFFFFFB0]  }
0x14a: {  	v6 =	vld [tilespmem:s13+$0xFFFFFFB0];
	[tilespmem:s20+$0xFFFFFF20] =	vst v1  }
0x14b: {  	v1 =	vld [tilespmem:s16+$0xFFFFFF30];
	v0 =	vadd.f32 v3, v0  }
0x14c: {  	v3 =	vld [tilespmem:s13+$0xFFFFFF30]  }
0x14d: {  	v2 =	vadd.f32 v2, v5;
	[tilespmem:s20+$0xB0] =	vst v0  }
0x14e: {  	v0 =	vld [tilespmem:s16+$0xC0]  }
0x14f: {  	v4 =	vadd.f32 v6, v4;
	[tilespmem:s20+$0x20] =	vst v2;
	v2 =	vld [tilespmem:s13+$0xC0]  }
0x150: {  	v5 =	vld [tilespmem:s16+$0x30]  }
0x151: {  	[tilespmem:s20+$0xFFFFFFB0] =	vst v4;
	v1 =	vadd.f32 v3, v1;
	v3 =	vld [tilespmem:s13+$0x30]  }
0x152: {  	v4 =	vld [tilespmem:s16+$0xFFFFFFC0]  }
0x153: {  	[tilespmem:s20+$0xFFFFFF30] =	vst v1;
	v1 =	vld [tilespmem:s13+$0xFFFFFFC0]  }
0x154: {  	v6 =	vld [tilespmem:s16+$0xFFFFFF40];
	v0 =	vadd.f32 v2, v0  }
0x155: {  	v2 =	vld [tilespmem:s13+$0xFFFFFF40]  }
0x156: {  	v3 =	vadd.f32 v3, v5;
	[tilespmem:s20+$0xC0] =	vst v0  }
0x157: {  	v0 =	vld [tilespmem:s16+$0xD0]  }
0x158: {  	v1 =	vadd.f32 v1, v4;
	[tilespmem:s20+$0x30] =	vst v3;
	v3 =	vld [tilespmem:s13+$0xD0]  }
0x159: {  	v4 =	vld [tilespmem:s16+$0x40]  }
0x15a: {  	v2 =	vadd.f32 v2, v6;
	[tilespmem:s20+$0xFFFFFFC0] =	vst v1;
	v1 =	vld [tilespmem:s13+$0x40]  }
0x15b: {  	v5 =	vld [tilespmem:s16+$0xFFFFFFD0]  }
0x15c: {  	[tilespmem:s20+$0xFFFFFF40] =	vst v2;
	v2 =	vld [tilespmem:s13+$0xFFFFFFD0]  }
0x15d: {  	v6 =	vld [tilespmem:s16+$0xFFFFFF50];
	v0 =	vadd.f32 v3, v0  }
0x15e: {  	v3 =	vld [tilespmem:s13+$0xFFFFFF50]  }
0x15f: {  	v1 =	vadd.f32 v1, v4;
	[tilespmem:s20+$0xD0] =	vst v0  }
0x160: {  	v7 =	vld [tilespmem:s16+$0xE0]  }
0x161: {  	v0 =	vadd.f32 v2, v5;
	v5 =	vld [tilespmem:s13+$0xE0];
	[tilespmem:s20+$0x40] =	vst v1  }
0x162: {  	v1 =	vld [tilespmem:s16+$0x50]  }
0x163: {  	v2 =	vadd.f32 v3, v6;
	[tilespmem:s20+$0xFFFFFFD0] =	vst v0;
	v4 =	vld [tilespmem:s13+$0x50]  }
0x164: {  	v0 =	vld [tilespmem:s16+$0xFFFFFFE0]  }
0x165: {  	v3 =	vld [tilespmem:s13+$0xFFFFFFE0];
	[tilespmem:s20+$0xFFFFFF50] =	vst v2  }
0x166: {  	s19 =	simm.s32 $0x0;
	v2 =	vld [tilespmem:s16+$0xFFFFFF60];
	v6 =	vadd.f32 v5, v7  }
0x167: {  	s15 =	simm.s32 $0x7500;
	s21 =	simm.s32 $0x17300;
	s7 =	simm.s32 $0xF300;
	v5 =	vld [tilespmem:s13+$0xFFFFFF60]  }
.LBB2_10:
0x168: {  	v7 =	vld [tilespmem:s15+$0x80];
	v1 =	vadd.f32 v4, v1;
	[tilespmem:s20+$0xE0] =	vst v6  }
0x169: {  	v4 =	vld [tilespmem:s16+$0xF0]  }
0x16a: {  	s7 =	sadd.s32 $0x200, s7;
	v0 =	vadd.f32 v3, v0;
	[tilespmem:s20+$0x50] =	vst v1;
	v1 =	vld [tilespmem:s13+$0xF0]  }
0x16b: {  	v3 =	vld [tilespmem:s7+$0x80]  }
0x16c: {  	v6 =	vld [tilespmem:s7+$0xFFFFFF00];
	v2 =	vadd.f32 v5, v2;
	[tilespmem:s20+$0xFFFFFFE0] =	vst v0  }
0x16d: {  	v0 =	vld [tilespmem:s15+$0xFFFFFF80]  }
0x16e: {  	v5 =	vld [tilespmem:s7+$0xFFFFFF80];
	[tilespmem:s20+$0xFFFFFF60] =	vst v2  }
0x16f: {  	v2 =	vld [tilespmem:s15+$0x0];
	v1 =	vadd.f32 v1, v4  }
0x170: {  	v4 =	vld [tilespmem:s7+$0x0];
	v3 =	vadd.f32 v3, v7  }
0x171: {  	s20 =	sadd.s32 $0x200, s20;
	v7 =	vld [tilespmem:s15+$0xFFFFFF00];
	[tilespmem:s21+$0xF0] =	vst v1  }
0x172: {  	s19 =	sadd.s32 $0x4, s19;
	[tilespmem:s20+$0x80] =	vst v3;
	v1 =	vld [tilespmem:s16+$0x60]  }
0x173: {  	p2 =	slt.u32 s19, $0x7C;
	v0 =	vadd.f32 v5, v0;
	v3 =	vld [tilespmem:s15+$0x90]  }
0x174: {  	v5 =	vld [tilespmem:s7+$0x90]  }
0x175: {  	[tilespmem:s20+$0xFFFFFF80] =	vst v0;
	v0 =	vadd.f32 v4, v2;
	v2 =	vld [tilespmem:s13+$0x60]  }
0x176: {  	v4 =	vadd.f32 v6, v7;
	v6 =	vld [tilespmem:s15+$0xFFFFFF90]  }
0x177: {  	v7 =	vld [tilespmem:s7+$0xFFFFFF90];
	[tilespmem:s20+$0x0] =	vst v0  }
0x178: {  	[tilespmem:s20+$0xFFFFFF00] =	vst v4;
	v0 =	vld [tilespmem:s15+$0x10]  }
0x179: {  	v4 =	vld [tilespmem:s15+$0xFFFFFF10];
	v3 =	vadd.f32 v5, v3  }
0x17a: {  	v5 =	vld [tilespmem:s7+$0xFFFFFF10];
	v1 =	vadd.f32 v2, v1  }
0x17b: {  	v2 =	vld [tilespmem:s7+$0x10];
	[tilespmem:s20+$0x90] =	vst v3  }
0x17c: {  	v3 =	vadd.f32 v7, v6;
	v6 =	vld [tilespmem:s15+$0xA0];
	[tilespmem:s21+$0x60] =	vst v1  }
0x17d: {  	v1 =	vld [tilespmem:s7+$0xA0]  }
0x17e: {  	[tilespmem:s20+$0xFFFFFF90] =	vst v3;
	v3 =	vld [tilespmem:s16+$0xFFFFFF70]  }
0x17f: {  	v4 =	vadd.f32 v5, v4;
	v5 =	vld [tilespmem:s15+$0xFFFFFFA0]  }
0x180: {  	v7 =	vld [tilespmem:s7+$0xFFFFFFA0];
	v0 =	vadd.f32 v2, v0  }
0x181: {  	[tilespmem:s20+$0xFFFFFF10] =	vst v4;
	v2 =	vld [tilespmem:s13+$0xFFFFFF70]  }
0x182: {  	v4 =	vld [tilespmem:s15+$0xFFFFFF20];
	[tilespmem:s20+$0x10] =	vst v0;
	v0 =	vadd.f32 v1, v6  }
0x183: {  	v1 =	vld [tilespmem:s7+$0xFFFFFF20]  }
0x184: {  	v6 =	vld [tilespmem:s15+$0x20];
	[tilespmem:s20+$0xA0] =	vst v0  }
0x185: {  	v0 =	vadd.f32 v7, v5;
	v5 =	vld [tilespmem:s15+$0xB0]  }
0x186: {  	v7 =	vld [tilespmem:s7+$0xB0];
	v2 =	vadd.f32 v2, v3  }
0x187: {  	[tilespmem:s20+$0xFFFFFFA0] =	vst v0;
	v0 =	vld [tilespmem:s7+$0x20]  }
0x188: {  	v1 =	vadd.f32 v1, v4;
	v3 =	vld [tilespmem:s15+$0xFFFFFFB0];
	[tilespmem:s21+$0xFFFFFF70] =	vst v2  }
0x189: {  	v2 =	vld [tilespmem:s7+$0xFFFFFFB0]  }
0x18a: {  	[tilespmem:s20+$0xFFFFFF20] =	vst v1;
	v1 =	vld [tilespmem:s16+$0xFFFFFFF0]  }
0x18b: {  	v4 =	vld [tilespmem:s15+$0xFFFFFF30];
	v5 =	vadd.f32 v7, v5  }
0x18c: {  	v7 =	vld [tilespmem:s7+$0xFFFFFF30];
	v0 =	vadd.f32 v0, v6  }
0x18d: {  	[tilespmem:s20+$0xB0] =	vst v5;
	v5 =	vld [tilespmem:s13+$0xFFFFFFF0]  }
0x18e: {  	v2 =	vadd.f32 v2, v3;
	[tilespmem:s20+$0x20] =	vst v0;
	v0 =	vld [tilespmem:s15+$0xC0]  }
0x18f: {  	v3 =	vld [tilespmem:s7+$0xC0]  }
0x190: {  	[tilespmem:s20+$0xFFFFFFB0] =	vst v2;
	v2 =	vld [tilespmem:s15+$0x30]  }
0x191: {  	v4 =	vadd.f32 v7, v4;
	v6 =	vld [tilespmem:s7+$0x30]  }
0x192: {  	v7 =	vld [tilespmem:s15+$0xFFFFFFC0];
	v1 =	vadd.f32 v5, v1  }
0x193: {  	[tilespmem:s20+$0xFFFFFF30] =	vst v4;
	v4 =	vld [tilespmem:s7+$0xFFFFFFC0]  }
0x194: {  	v5 =	vld [tilespmem:s15+$0xFFFFFF40];
	v0 =	vadd.f32 v3, v0;
	[tilespmem:s21+$0xFFFFFFF0] =	vst v1  }
0x195: {  	v1 =	vld [tilespmem:s7+$0xFFFFFF40]  }
0x196: {  	v2 =	vadd.f32 v6, v2;
	[tilespmem:s20+$0xC0] =	vst v0;
	v3 =	vld [tilespmem:s16+$0x70];
	s16 =	smov.u32 s15  }
0x197: {  	v0 =	vld [tilespmem:s15+$0xD0]  }
0x198: {  	v4 =	vadd.f32 v4, v7;
	[tilespmem:s20+$0x30] =	vst v2;
	v2 =	vld [tilespmem:s7+$0xD0]  }
0x199: {  	v6 =	vld [tilespmem:s15+$0x40]  }
0x19a: {  	v1 =	vadd.f32 v1, v5;
	[tilespmem:s20+$0xFFFFFFC0] =	vst v4;
	v4 =	vld [tilespmem:s7+$0x40]  }
0x19b: {  	v5 =	vld [tilespmem:s15+$0xFFFFFFD0]  }
0x19c: {  	[tilespmem:s20+$0xFFFFFF40] =	vst v1;
	v1 =	vld [tilespmem:s7+$0xFFFFFFD0]  }
0x19d: {  	v7 =	vld [tilespmem:s15+$0xFFFFFF50];
	v0 =	vadd.f32 v2, v0  }
0x19e: {  	v2 =	vld [tilespmem:s7+$0xFFFFFF50]  }
0x19f: {  	v4 =	vadd.f32 v4, v6;
	[tilespmem:s20+$0xD0] =	vst v0;
	v6 =	vld [tilespmem:s13+$0x70];
	s13 =	smov.u32 s7  }
0x1a0: {  	v8 =	vld [tilespmem:s15+$0xE0]  }
0x1a1: {  	v0 =	vadd.f32 v1, v5;
	[tilespmem:s20+$0x40] =	vst v4;
	v5 =	vld [tilespmem:s7+$0xE0]  }
0x1a2: {  	v1 =	vld [tilespmem:s15+$0x50]  }
.Ltmp8:
0x1a3: {  	v2 =	vadd.f32 v2, v7;
	[tilespmem:s20+$0xFFFFFFD0] =	vst v0;
	v4 =	vld [tilespmem:s7+$0x50];
	(pc) =	sbr.rel @p2 .LBB2_10-.Ltmp8, $4  }
0x1a4: {  	v0 =	vld [tilespmem:s15+$0xFFFFFFE0];
	v7 =	vadd.f32 v6, v3  }
0x1a5: {  	[tilespmem:s20+$0xFFFFFF50] =	vst v2;
	v3 =	vld [tilespmem:s7+$0xFFFFFFE0]  }
0x1a6: {  	v2 =	vld [tilespmem:s15+$0xFFFFFF60];
	v6 =	vadd.f32 v5, v8;
	[tilespmem:s21+$0x70] =	vst v7;
	s21 =	smov.u32 s20  }
0x1a7: {  	s15 =	sadd.s32 $0x200, s15;
	v5 =	vld [tilespmem:s7+$0xFFFFFF60]  }
0x1a8: {  	v1 =	vadd.f32 v4, v1;
	_ =	sdelay $0x1  }
0x1a9: {  	[tilespmem:s20+$0x50] =	vst v1  }
0x1aa: {  	v1 =	vld [tilespmem:s16+$0x60]  }
0x1ab: {  	v55 =	vld [tilespmem:s13+$0x60]  }
0x1ac: {  	[tilespmem:s20+$0xE0] =	vst v6;
	v0 =	vadd.f32 v3, v0  }
0x1ad: {  	v56 =	vld [tilespmem:s16+$0xF0]  }
0x1ae: {  	v57 =	vld [tilespmem:s13+$0xF0];
	v2 =	vadd.f32 v5, v2;
	[tilespmem:s20+$0xFFFFFFE0] =	vst v0  }
0x1af: {  	v60 =	vld [tilespmem:s16+$0xFFFFFFF0]  }
0x1b0: {  	v61 =	vld [tilespmem:s13+$0xFFFFFFF0];
	[tilespmem:s20+$0xFFFFFF60] =	vst v2;
	v58 =	vadd.f32 v55, v1  }
0x1b1: {  	v2 =	vld [tilespmem:s16+$0xFFFFFF70]  }
0x1b2: {  	v59 =	vld [tilespmem:s13+$0xFFFFFF70];
	[tilespmem:s21+$0x60] =	vst v58  }
0x1b3: {  	v62 =	vld [tilespmem:s16+$0x70]  }
0x1b4: {  	v7 =	vld [tilespmem:s13+$0x70];
	_ =	sdelay $0x1  }
0x1b5: {  	v3 =	vadd.f32 v57, v56  }
0x1b6: {  	v0 =	vadd.f32 v61, v60  }
0x1b7: {  	s7 =	sshll.u32 s25, $0xE;
	[tilespmem:s21+$0xF0] =	vst v3;
	v1 =	vadd.f32 v59, v2  }
0x1b8: {  	s7 =	sadd.s32 s6, s7;
	[tilespmem:s21+$0xFFFFFFF0] =	vst v0;
	v63 =	vadd.f32 v7, v62  }
0x1b9: {  	s7 =	sshrl.u32 s7, $0x3;
	[tilespmem:s21+$0xFFFFFF70] =	vst v1  }
0x1ba: {  	s7 =	sadd.s32 s2, s7;
	[tilespmem:s21+$0x70] =	vst v63  }
0x1bb: {  	[hbm4b:s7+s3] =	stream.linear.scatter [tilespmem:s30], [sflag:$0x5], $0x4000, $0x38;
	[tilespmem:$0x1B200] =	vst v63  }
0x1bc: {  	s7 =	sadd.s32 $0x3, s24  }
0x1bd: {  	p2 =	sge.u32 s7, s5  }
.Ltmp9:
0x1be: {  	s7 =	sshll.u32 @!p2 s7, $0x7;
	(pc) =	sbr.rel .LBB2_12-.Ltmp9, $4  }
0x1bf: {  	s15 =	simm.s32 @!p2 $0x80;
	s16 =	simm.s32 @!p2 $0x7200;
	s13 =	sadd.s32 @!p2 $0x2580, s7  }
0x1c0: {  	[tilespmem:s16], [sflag:$0x3] =	stream.indirect.gather @!p2 [hbm4b:s4+s15], $0x80, s13, s15, $0xb8;
	[tilespmem:$0x1B200] =	vst v63  }
0x1c1: {  	s7 =	sadd.s32 @!p2 $0xC80, s7;
	s13 =	simm.s32 @!p2 $0xF200  }
0x1c2: {  	[tilespmem:s13], [sflag:$0x3] =	stream.indirect.gather @!p2 [hbm4b:s0+s15], $0x80, s7, s15, $0xb8;
	[tilespmem:$0x1B200] =	vst v63  }
.LBB2_13:
0x1c3: {  	_ =	swait.ge [sflag:s31], $0x4000  }
.Ltmp10:
0x1c4: {  	[sflag:s31] =	ssyncset.done $0x0;
	(pc) =	sbr.rel @p0 .LBB2_17-.Ltmp10, $4  }
0x1c5: {  	[sflag:s31] =	ssyncadd.s32 $0xFFFFC000  }
0x1c6: {  	_ =	swait.ge [sflag:s1], $0x4000  }
0x1c7: {  	[sflag:s1] =	ssyncset.done $0x0  }
0x1c8: {  	s23 =	simm.s32 $0xC80;
	[sflag:s1] =	ssyncadd.s32 $0xFFFFC000  }
0x1c9: {  	s7 =	simm.s32 $0x3200;
	s13 =	simm.s32 $0x30;
	s15 =	simm.s32 $0x3180  }
0x1ca: {  	[tilespmem:s7], [sflag:$0x2] =	stream.indirect.gather [hbm4b:s4+s13], $0x80, s15, s13, $0xb8;
	[tilespmem:$0x1B200] =	vst v63  }
0x1cb: {  	s24 =	simm.s32 $0xB200;
	s25 =	simm.s32 $0x1880  }
0x1cc: {  	[tilespmem:s24], [sflag:$0x2] =	stream.indirect.gather [hbm4b:s0+s13], $0x80, s25, s13, $0xb8;
	[tilespmem:$0x1B200] =	vst v63  }
0x1cd: {  	_ =	swait.ge [sflag:s26], $0x1800  }
0x1ce: {  	[sflag:s26] =	ssyncset.done $0x0  }
0x1cf: {  	[sflag:s26] =	ssyncadd.s32 $0xFFFFE800  }
0x1d0: {  	_ =	swait.ge [sflag:s26], $0x1800  }
0x1d1: {  	[sflag:s26] =	ssyncset.done $0x0  }
0x1d2: {  	s13 =	simm.s32 $0x3300;
	[sflag:s26] =	ssyncadd.s32 $0xFFFFE800  }
0x1d3: {  	s16 =	simm.s32 $0xB300;
	v0 =	vld [tilespmem:s13+$0x80]  }
0x1d4: {  	v1 =	vld [tilespmem:s16+$0x80];
	_ =	sdelay $0x2  }
0x1d5: {  	v2 =	vld [tilespmem:s13+$0xFFFFFF80]  }
0x1d6: {  	v3 =	vld [tilespmem:s16+$0xFFFFFF80]  }
0x1d7: {  	v4 =	vld [tilespmem:s16+$0xFFFFFF00];
	v0 =	vadd.f32 v1, v0  }
0x1d8: {  	s20 =	simm.s32 $0x13300;
	v1 =	vld [tilespmem:s13+$0xFFFFFF00]  }
0x1d9: {  	[tilespmem:s20+$0x80] =	vst v0  }
0x1da: {  	v0 =	vld [tilespmem:s13+$0x90]  }
0x1db: {  	v2 =	vadd.f32 v3, v2;
	v3 =	vld [tilespmem:s16+$0x90]  }
0x1dc: {  	v5 =	vld [tilespmem:s13+$0x0]  }
0x1dd: {  	v6 =	vld [tilespmem:s16+$0x0];
	[tilespmem:s20+$0xFFFFFF80] =	vst v2;
	v1 =	vadd.f32 v4, v1  }
0x1de: {  	v2 =	vld [tilespmem:s13+$0xFFFFFF90]  }
0x1df: {  	v4 =	vld [tilespmem:s16+$0xFFFFFF90];
	[tilespmem:s20+$0xFFFFFF00] =	vst v1  }
0x1e0: {  	v1 =	vld [tilespmem:s13+$0xFFFFFF10];
	v0 =	vadd.f32 v3, v0  }
0x1e1: {  	v3 =	vld [tilespmem:s16+$0xFFFFFF10]  }
0x1e2: {  	v5 =	vadd.f32 v6, v5;
	[tilespmem:s20+$0x90] =	vst v0  }
0x1e3: {  	v0 =	vld [tilespmem:s13+$0xA0]  }
0x1e4: {  	[tilespmem:s20+$0x0] =	vst v5;
	v2 =	vadd.f32 v4, v2;
	v4 =	vld [tilespmem:s16+$0xA0]  }
0x1e5: {  	v5 =	vld [tilespmem:s13+$0x10]  }
0x1e6: {  	v6 =	vld [tilespmem:s16+$0x10];
	[tilespmem:s20+$0xFFFFFF90] =	vst v2;
	v1 =	vadd.f32 v3, v1  }
0x1e7: {  	v2 =	vld [tilespmem:s13+$0xFFFFFFA0]  }
0x1e8: {  	v3 =	vld [tilespmem:s16+$0xFFFFFFA0];
	[tilespmem:s20+$0xFFFFFF10] =	vst v1  }
0x1e9: {  	v1 =	vld [tilespmem:s13+$0xFFFFFF20];
	v0 =	vadd.f32 v4, v0  }
0x1ea: {  	v4 =	vld [tilespmem:s16+$0xFFFFFF20]  }
0x1eb: {  	v5 =	vadd.f32 v6, v5;
	[tilespmem:s20+$0xA0] =	vst v0  }
0x1ec: {  	v0 =	vld [tilespmem:s13+$0xB0]  }
0x1ed: {  	[tilespmem:s20+$0x10] =	vst v5;
	v2 =	vadd.f32 v3, v2;
	v3 =	vld [tilespmem:s16+$0xB0]  }
0x1ee: {  	v5 =	vld [tilespmem:s13+$0x20]  }
0x1ef: {  	[tilespmem:s20+$0xFFFFFFA0] =	vst v2;
	v2 =	vld [tilespmem:s16+$0x20];
	v1 =	vadd.f32 v4, v1  }
0x1f0: {  	v4 =	vld [tilespmem:s13+$0xFFFFFFB0]  }
0x1f1: {  	v6 =	vld [tilespmem:s16+$0xFFFFFFB0];
	[tilespmem:s20+$0xFFFFFF20] =	vst v1  }
0x1f2: {  	v1 =	vld [tilespmem:s13+$0xFFFFFF30];
	v0 =	vadd.f32 v3, v0  }
0x1f3: {  	v3 =	vld [tilespmem:s16+$0xFFFFFF30]  }
0x1f4: {  	v2 =	vadd.f32 v2, v5;
	[tilespmem:s20+$0xB0] =	vst v0  }
0x1f5: {  	v0 =	vld [tilespmem:s13+$0xC0]  }
0x1f6: {  	v4 =	vadd.f32 v6, v4;
	[tilespmem:s20+$0x20] =	vst v2;
	v2 =	vld [tilespmem:s16+$0xC0]  }
0x1f7: {  	v5 =	vld [tilespmem:s13+$0x30]  }
0x1f8: {  	[tilespmem:s20+$0xFFFFFFB0] =	vst v4;
	v1 =	vadd.f32 v3, v1;
	v3 =	vld [tilespmem:s16+$0x30]  }
0x1f9: {  	v4 =	vld [tilespmem:s13+$0xFFFFFFC0]  }
0x1fa: {  	[tilespmem:s20+$0xFFFFFF30] =	vst v1;
	v1 =	vld [tilespmem:s16+$0xFFFFFFC0]  }
0x1fb: {  	v6 =	vld [tilespmem:s13+$0xFFFFFF40];
	v0 =	vadd.f32 v2, v0  }
0x1fc: {  	v2 =	vld [tilespmem:s16+$0xFFFFFF40]  }
0x1fd: {  	v3 =	vadd.f32 v3, v5;
	[tilespmem:s20+$0xC0] =	vst v0  }
0x1fe: {  	v0 =	vld [tilespmem:s13+$0xD0]  }
0x1ff: {  	v1 =	vadd.f32 v1, v4;
	[tilespmem:s20+$0x30] =	vst v3;
	v3 =	vld [tilespmem:s16+$0xD0]  }
0x200: {  	v4 =	vld [tilespmem:s13+$0x40]  }
0x201: {  	v2 =	vadd.f32 v2, v6;
	[tilespmem:s20+$0xFFFFFFC0] =	vst v1;
	v1 =	vld [tilespmem:s16+$0x40]  }
0x202: {  	v5 =	vld [tilespmem:s13+$0xFFFFFFD0]  }
0x203: {  	[tilespmem:s20+$0xFFFFFF40] =	vst v2;
	v2 =	vld [tilespmem:s16+$0xFFFFFFD0]  }
0x204: {  	v6 =	vld [tilespmem:s13+$0xFFFFFF50];
	v0 =	vadd.f32 v3, v0  }
0x205: {  	v3 =	vld [tilespmem:s16+$0xFFFFFF50]  }
0x206: {  	v1 =	vadd.f32 v1, v4;
	[tilespmem:s20+$0xD0] =	vst v0  }
0x207: {  	v7 =	vld [tilespmem:s13+$0xE0]  }
0x208: {  	v0 =	vadd.f32 v2, v5;
	v5 =	vld [tilespmem:s16+$0xE0];
	[tilespmem:s20+$0x40] =	vst v1  }
0x209: {  	v1 =	vld [tilespmem:s13+$0x50]  }
0x20a: {  	v2 =	vadd.f32 v3, v6;
	[tilespmem:s20+$0xFFFFFFD0] =	vst v0;
	v4 =	vld [tilespmem:s16+$0x50]  }
0x20b: {  	v0 =	vld [tilespmem:s13+$0xFFFFFFE0]  }
0x20c: {  	v3 =	vld [tilespmem:s16+$0xFFFFFFE0];
	[tilespmem:s20+$0xFFFFFF50] =	vst v2  }
0x20d: {  	s19 =	simm.s32 $0x0;
	v2 =	vld [tilespmem:s13+$0xFFFFFF60];
	v6 =	vadd.f32 v5, v7  }
0x20e: {  	s21 =	simm.s32 $0x13300;
	s15 =	simm.s32 $0x3500;
	s7 =	simm.s32 $0xB300;
	v5 =	vld [tilespmem:s16+$0xFFFFFF60]  }
.LBB2_15:
0x20f: {  	v7 =	vld [tilespmem:s15+$0x80];
	v1 =	vadd.f32 v4, v1;
	[tilespmem:s20+$0xE0] =	vst v6  }
0x210: {  	v4 =	vld [tilespmem:s13+$0xF0]  }
0x211: {  	s7 =	sadd.s32 $0x200, s7;
	v0 =	vadd.f32 v3, v0;
	[tilespmem:s20+$0x50] =	vst v1;
	v1 =	vld [tilespmem:s16+$0xF0]  }
0x212: {  	v3 =	vld [tilespmem:s7+$0x80]  }
0x213: {  	v6 =	vld [tilespmem:s7+$0xFFFFFF00];
	v2 =	vadd.f32 v5, v2;
	[tilespmem:s20+$0xFFFFFFE0] =	vst v0  }
0x214: {  	v0 =	vld [tilespmem:s15+$0xFFFFFF80]  }
0x215: {  	v5 =	vld [tilespmem:s7+$0xFFFFFF80];
	[tilespmem:s20+$0xFFFFFF60] =	vst v2  }
0x216: {  	v2 =	vld [tilespmem:s15+$0x0];
	v1 =	vadd.f32 v1, v4  }
0x217: {  	v4 =	vld [tilespmem:s7+$0x0];
	v3 =	vadd.f32 v3, v7  }
0x218: {  	s20 =	sadd.s32 $0x200, s20;
	v7 =	vld [tilespmem:s15+$0xFFFFFF00];
	[tilespmem:s21+$0xF0] =	vst v1  }
0x219: {  	s19 =	sadd.s32 $0x4, s19;
	[tilespmem:s20+$0x80] =	vst v3;
	v1 =	vld [tilespmem:s13+$0x60]  }
0x21a: {  	p2 =	slt.u32 s19, $0x2C;
	v0 =	vadd.f32 v5, v0;
	v3 =	vld [tilespmem:s15+$0x90]  }
0x21b: {  	v5 =	vld [tilespmem:s7+$0x90]  }
0x21c: {  	[tilespmem:s20+$0xFFFFFF80] =	vst v0;
	v0 =	vadd.f32 v4, v2;
	v2 =	vld [tilespmem:s16+$0x60]  }
0x21d: {  	v4 =	vadd.f32 v6, v7;
	v6 =	vld [tilespmem:s15+$0xFFFFFF90]  }
0x21e: {  	v7 =	vld [tilespmem:s7+$0xFFFFFF90];
	[tilespmem:s20+$0x0] =	vst v0  }
0x21f: {  	[tilespmem:s20+$0xFFFFFF00] =	vst v4;
	v0 =	vld [tilespmem:s15+$0x10]  }
0x220: {  	v4 =	vld [tilespmem:s15+$0xFFFFFF10];
	v3 =	vadd.f32 v5, v3  }
0x221: {  	v5 =	vld [tilespmem:s7+$0xFFFFFF10];
	v1 =	vadd.f32 v2, v1  }
0x222: {  	v2 =	vld [tilespmem:s7+$0x10];
	[tilespmem:s20+$0x90] =	vst v3  }
0x223: {  	v3 =	vadd.f32 v7, v6;
	v6 =	vld [tilespmem:s15+$0xA0];
	[tilespmem:s21+$0x60] =	vst v1  }
0x224: {  	v1 =	vld [tilespmem:s7+$0xA0]  }
0x225: {  	[tilespmem:s20+$0xFFFFFF90] =	vst v3;
	v3 =	vld [tilespmem:s13+$0xFFFFFF70]  }
0x226: {  	v4 =	vadd.f32 v5, v4;
	v5 =	vld [tilespmem:s15+$0xFFFFFFA0]  }
0x227: {  	v7 =	vld [tilespmem:s7+$0xFFFFFFA0];
	v0 =	vadd.f32 v2, v0  }
0x228: {  	[tilespmem:s20+$0xFFFFFF10] =	vst v4;
	v2 =	vld [tilespmem:s16+$0xFFFFFF70]  }
0x229: {  	v4 =	vld [tilespmem:s15+$0xFFFFFF20];
	[tilespmem:s20+$0x10] =	vst v0;
	v0 =	vadd.f32 v1, v6  }
0x22a: {  	v1 =	vld [tilespmem:s7+$0xFFFFFF20]  }
0x22b: {  	v6 =	vld [tilespmem:s15+$0x20];
	[tilespmem:s20+$0xA0] =	vst v0  }
0x22c: {  	v0 =	vadd.f32 v7, v5;
	v5 =	vld [tilespmem:s15+$0xB0]  }
0x22d: {  	v7 =	vld [tilespmem:s7+$0xB0];
	v2 =	vadd.f32 v2, v3  }
0x22e: {  	[tilespmem:s20+$0xFFFFFFA0] =	vst v0;
	v0 =	vld [tilespmem:s7+$0x20]  }
0x22f: {  	v1 =	vadd.f32 v1, v4;
	v3 =	vld [tilespmem:s15+$0xFFFFFFB0];
	[tilespmem:s21+$0xFFFFFF70] =	vst v2  }
0x230: {  	v2 =	vld [tilespmem:s7+$0xFFFFFFB0]  }
0x231: {  	[tilespmem:s20+$0xFFFFFF20] =	vst v1;
	v1 =	vld [tilespmem:s13+$0xFFFFFFF0]  }
0x232: {  	v4 =	vld [tilespmem:s15+$0xFFFFFF30];
	v5 =	vadd.f32 v7, v5  }
0x233: {  	v7 =	vld [tilespmem:s7+$0xFFFFFF30];
	v0 =	vadd.f32 v0, v6  }
0x234: {  	[tilespmem:s20+$0xB0] =	vst v5;
	v5 =	vld [tilespmem:s16+$0xFFFFFFF0]  }
0x235: {  	v2 =	vadd.f32 v2, v3;
	[tilespmem:s20+$0x20] =	vst v0;
	v0 =	vld [tilespmem:s15+$0xC0]  }
0x236: {  	v3 =	vld [tilespmem:s7+$0xC0]  }
0x237: {  	[tilespmem:s20+$0xFFFFFFB0] =	vst v2;
	v2 =	vld [tilespmem:s15+$0x30]  }
0x238: {  	v4 =	vadd.f32 v7, v4;
	v6 =	vld [tilespmem:s7+$0x30]  }
0x239: {  	v7 =	vld [tilespmem:s15+$0xFFFFFFC0];
	v1 =	vadd.f32 v5, v1  }
0x23a: {  	[tilespmem:s20+$0xFFFFFF30] =	vst v4;
	v4 =	vld [tilespmem:s7+$0xFFFFFFC0]  }
0x23b: {  	v5 =	vld [tilespmem:s15+$0xFFFFFF40];
	v0 =	vadd.f32 v3, v0;
	[tilespmem:s21+$0xFFFFFFF0] =	vst v1  }
0x23c: {  	v1 =	vld [tilespmem:s7+$0xFFFFFF40]  }
0x23d: {  	v2 =	vadd.f32 v6, v2;
	[tilespmem:s20+$0xC0] =	vst v0;
	v3 =	vld [tilespmem:s13+$0x70];
	s13 =	smov.u32 s15  }
0x23e: {  	v0 =	vld [tilespmem:s15+$0xD0]  }
0x23f: {  	v4 =	vadd.f32 v4, v7;
	[tilespmem:s20+$0x30] =	vst v2;
	v2 =	vld [tilespmem:s7+$0xD0]  }
0x240: {  	v6 =	vld [tilespmem:s15+$0x40]  }
0x241: {  	v1 =	vadd.f32 v1, v5;
	[tilespmem:s20+$0xFFFFFFC0] =	vst v4;
	v4 =	vld [tilespmem:s7+$0x40]  }
0x242: {  	v5 =	vld [tilespmem:s15+$0xFFFFFFD0]  }
0x243: {  	[tilespmem:s20+$0xFFFFFF40] =	vst v1;
	v1 =	vld [tilespmem:s7+$0xFFFFFFD0]  }
0x244: {  	v7 =	vld [tilespmem:s15+$0xFFFFFF50];
	v0 =	vadd.f32 v2, v0  }
0x245: {  	v2 =	vld [tilespmem:s7+$0xFFFFFF50]  }
0x246: {  	v4 =	vadd.f32 v4, v6;
	[tilespmem:s20+$0xD0] =	vst v0;
	v6 =	vld [tilespmem:s16+$0x70];
	s16 =	smov.u32 s7  }
0x247: {  	v8 =	vld [tilespmem:s15+$0xE0]  }
0x248: {  	v0 =	vadd.f32 v1, v5;
	[tilespmem:s20+$0x40] =	vst v4;
	v5 =	vld [tilespmem:s7+$0xE0]  }
0x249: {  	v1 =	vld [tilespmem:s15+$0x50]  }
.Ltmp11:
0x24a: {  	v2 =	vadd.f32 v2, v7;
	[tilespmem:s20+$0xFFFFFFD0] =	vst v0;
	v4 =	vld [tilespmem:s7+$0x50];
	(pc) =	sbr.rel @p2 .LBB2_15-.Ltmp11, $4  }
0x24b: {  	v0 =	vld [tilespmem:s15+$0xFFFFFFE0];
	v7 =	vadd.f32 v6, v3  }
0x24c: {  	[tilespmem:s20+$0xFFFFFF50] =	vst v2;
	v3 =	vld [tilespmem:s7+$0xFFFFFFE0]  }
0x24d: {  	v2 =	vld [tilespmem:s15+$0xFFFFFF60];
	v6 =	vadd.f32 v5, v8;
	[tilespmem:s21+$0x70] =	vst v7;
	s21 =	smov.u32 s20  }
0x24e: {  	s15 =	sadd.s32 $0x200, s15;
	v5 =	vld [tilespmem:s7+$0xFFFFFF60]  }
0x24f: {  	v1 =	vadd.f32 v4, v1;
	_ =	sdelay $0x1  }
0x250: {  	[tilespmem:s20+$0x50] =	vst v1  }
0x251: {  	v1 =	vld [tilespmem:s13+$0x60]  }
0x252: {  	v55 =	vld [tilespmem:s16+$0x60]  }
0x253: {  	[tilespmem:s20+$0xE0] =	vst v6;
	v0 =	vadd.f32 v3, v0  }
0x254: {  	v56 =	vld [tilespmem:s13+$0xF0]  }
0x255: {  	v57 =	vld [tilespmem:s16+$0xF0];
	v2 =	vadd.f32 v5, v2;
	[tilespmem:s20+$0xFFFFFFE0] =	vst v0  }
0x256: {  	v60 =	vld [tilespmem:s13+$0xFFFFFFF0]  }
0x257: {  	v61 =	vld [tilespmem:s16+$0xFFFFFFF0];
	[tilespmem:s20+$0xFFFFFF60] =	vst v2;
	v58 =	vadd.f32 v55, v1  }
0x258: {  	v2 =	vld [tilespmem:s13+$0xFFFFFF70]  }
0x259: {  	v59 =	vld [tilespmem:s16+$0xFFFFFF70];
	[tilespmem:s21+$0x60] =	vst v58  }
0x25a: {  	v62 =	vld [tilespmem:s13+$0x70]  }
0x25b: {  	v7 =	vld [tilespmem:s16+$0x70];
	_ =	sdelay $0x1  }
0x25c: {  	v3 =	vadd.f32 v57, v56  }
0x25d: {  	v0 =	vadd.f32 v61, v60  }
0x25e: {  	[tilespmem:s21+$0xF0] =	vst v3;
	v1 =	vadd.f32 v59, v2  }
0x25f: {  	[tilespmem:s21+$0xFFFFFFF0] =	vst v0;
	v63 =	vadd.f32 v7, v62  }
0x260: {  	[tilespmem:s21+$0xFFFFFF70] =	vst v1  }
0x261: {  	[tilespmem:s21+$0x70] =	vst v63  }
.Ltmp12:
0x262: {  	s25 =	simm.s32 $0x6;
	s7 =	rddreg [dreg:$0x8];
	(pc) =	sbr.rel .LBB2_17-.Ltmp12, $4  }
0x263: {  	[hbm4b:s7+s3] =	stream.linear.scatter [tilespmem:s28], [sflag:$0x6], $0x1800, $0x38;
	[tilespmem:$0x1B200] =	vst v63  }
0x264: {  	_ =	swait.ge [sflag:s25], $0x1800  }
0x265: {  	[sflag:s25] =	ssyncset.done $0x0  }
0x266: {  	[sflag:s25] =	ssyncadd.s32 $0xFFFFE800  }
.LBB2_18:
0x267: {  	_ =	sfence.sel $0x180000  }
0x268: {  	[bflag:$0x0] =	sbarrier.arrive $0xFFFF  }
0x269: {  	_ =	strace $0x90000047  }
0x26a: {  	[bflag:$0x2] =	sbarrier.arrive $0xFFFF  }
0x26b: {  	s0 =	rddreg [dreg:$0x6]  }
0x26c: {  	s0 =	sadd.s32 @!p1 $0x100000, s0  }
0x26d: {  	[sflag:s0] =	ssyncadd.tile.s32 @!p1 $0x1;
	_ =	shalt  }
.Lfunc_end2:
_tile_overlayer_lowered:
.L_overlay_start_2:
0x26e: {  	(tag) =	ssettag $0x2  }
0x26f: {  	s0 =	rddreg [dreg:$0x0];
	s2 =	stileid.u32  }
0x270: {  	s1 =	rddreg [dreg:$0x1];
	p0 =	sne.s32 s2, $0x0  }
0x271: {  	s3 =	rddreg [dreg:$0x2];
	[bflag:$0x3] =	sbarrier.arrive $0xFFFF;
	s2 =	simm.s32 @!p0 $0x1C06  }
0x272: {  	[timem:s3], [sflag:s2] =	dma.local @!p0 [hbm:s0], s1  }
0x273: {  	s0 =	simm.s32 @!p0 $0x6  }
0x274: {  	_ =	swait.ge @!p0 [sflag:s0], s1  }
0x275: {  	s1 =	ssub.s32 @!p0 $0x0, s1;
	[sflag:s0] =	ssyncset.done @!p0 $0x0  }
0x276: {  	[sflag:s0] =	ssyncadd.s32 @!p0 s1  }
0x277: {  	[bflag:$0x3] =	sbarrier.arrive $0xFFFF  }
0x278: {  	_ =	shalt  }

</sc_bundles>
